<compile_context>
chip_gen: v7x
topology: tpu7x:2x2x1
jax: 0.10.2.dev20260603
libtpu: 0.0.44.dev20260713+nightly
codegen_flags: <defaults>
</compile_context>

<pallas_src>
import functools

import jax
import jax.numpy as jnp
from jax import lax
from jax.experimental import pallas as pl
from jax.experimental.pallas import tpu as pltpu
from jax.experimental.pallas import tpu_sc as plsc

D = 64
SCALE = float(D) ** 0.5
L = 16
NC = 2
NS = 16
NW = NC * NS
CHUNK = 640


@functools.lru_cache(maxsize=None)
def _make_sc_lookup(B, V):
    assert B % (NW * CHUNK) == 0
    b_per_w = B // NW
    n_chunks = b_per_w // CHUNK
    mesh = plsc.VectorSubcoreMesh(core_axis_name="c", subcore_axis_name="s")

    @functools.partial(
        pl.kernel,
        mesh=mesh,
        out_type=jax.ShapeDtypeStruct((B, D), jnp.float32),
        scratch_types=[
            pltpu.VMEM((b_per_w,), jnp.int32),
            pltpu.VMEM((CHUNK, D), jnp.float32),
            pltpu.VMEM((CHUNK, D), jnp.float32),
            pltpu.SemaphoreType.DMA,
            pltpu.SemaphoreType.DMA,
            pltpu.SemaphoreType.DMA,
            pltpu.SemaphoreType.DMA,
        ],
        compiler_params=pltpu.CompilerParams(use_tc_tiling_on_sc=False),
    )
    def sc_lookup(x_hbm, table_hbm, out_hbm, idx_v, rows0, rows1,
                  g0, g1, s0, s1):
        wid = lax.axis_index("s") * NC + lax.axis_index("c")
        base = wid * b_per_w
        rows = (rows0, rows1)
        gsem = (g0, g1)
        ssem = (s0, s1)

        pltpu.sync_copy(x_hbm.at[pl.ds(base, b_per_w)], idx_v)

        def gather(c, b):
            pltpu.async_copy(
                table_hbm.at[idx_v.at[pl.ds(c * CHUNK, CHUNK)]],
                rows[b], gsem[b])

        def scale(b):
            def body(i, carry):
                for j in range(D // L):
                    sl = pl.ds(j * L, L)
                    rows[b][i, sl] = rows[b][i, sl] * SCALE
                return carry
            lax.fori_loop(0, CHUNK, body, 0, unroll=8)

        def scatter(c, b):
            return pltpu.async_copy(
                rows[b], out_hbm.at[pl.ds(base + c * CHUNK, CHUNK)], ssem[b])

        def wait_gather(b):
            pltpu.make_async_copy(
                table_hbm.at[idx_v.at[pl.ds(0, CHUNK)]], rows[b],
                gsem[b]).wait()

        def wait_scatter(b):
            pltpu.make_async_copy(
                rows[b], out_hbm.at[pl.ds(base, CHUNK)], ssem[b]).wait()

        gather(0, 0)

        def outer(g, carry):
            for b in range(2):
                c = g + b
                bn = 1 - b

                @pl.when((c >= 1) & (c + 1 < n_chunks))
                def _():
                    wait_scatter(bn)

                @pl.when(c + 1 < n_chunks)
                def _():
                    gather(c + 1, bn)

                wait_gather(b)
                scale(b)
                scatter(c, b)
            return carry

        lax.fori_loop(0, n_chunks // 2, lambda g, cc: outer(g * 2, cc), 0)

        wait_scatter(0)
        wait_scatter(1)

    return sc_lookup


def kernel(x, table):
    xf = x.reshape(-1).astype(jnp.int32)
    out = _make_sc_lookup(xf.shape[0], table.shape[0])(xf, table)
    return out.reshape(x.shape + (D,))

# --- scband reference (transcript-rebuilt; emitter-appended) ---
"""Pipeline reference for scband-embeding-layer-27702539059593 (READ-ONLY COPY).

The authoritative reference and input builder live on the scoring server;
editing this copy changes nothing except your own understanding.
"""

import jax, jax.numpy as jnp
import numpy as np

V = 1000000
D = 64

def setup_inputs(seed: int = 0) -> dict:
    key = jax.random.key(seed)
    k1, k2 = jax.random.split(key)
    x = jax.random.randint(k1, (4096, 200), 0, V, dtype=jnp.int64)
    table = jax.random.normal(k2, (V, D), dtype=jnp.float32) * 0.02
    return {"x": x, "table": table}

def reference(x, table):
    # nn.Embedding lookup followed by scaling by sqrt(d)
    emb = jnp.take(table, x, axis=0)
    return emb * (D ** 0.5)

if __name__ == "__main__":
    import jax
    _d = setup_inputs()
    print(jax.jit(kernel)(*tuple(_d.values())))

</pallas_src>

<mosaic_0001>
#map = affine_map<(d0, d1) -> (0)>
#map1 = affine_map<(d0, d1) -> (0, 0)>
module attributes {stable_mosaic.version = 14 : i64} {
  func.func @sc_lookup(%arg0: i32, %arg1: i32, %arg2: memref<819200xi32, #tpu.memory_space<hbm>>, %arg3: memref<1000000x64xf32, #tpu.memory_space<hbm>>, %arg4: memref<819200x64xf32, #tpu.memory_space<hbm>>, %arg5: memref<25600xi32, #tpu.memory_space<vmem>>, %arg6: memref<640x64xf32, #tpu.memory_space<vmem>>, %arg7: memref<640x64xf32, #tpu.memory_space<vmem>>, %arg8: memref<!tpu.dma_semaphore, #tpu.memory_space<semaphore_mem>>, %arg9: memref<!tpu.dma_semaphore, #tpu.memory_space<semaphore_mem>>, %arg10: memref<!tpu.dma_semaphore, #tpu.memory_space<semaphore_mem>>, %arg11: memref<!tpu.dma_semaphore, #tpu.memory_space<semaphore_mem>>) attributes {dimension_semantics = [#tpu.dimension_semantics<core_parallel>, #tpu.dimension_semantics<subcore_parallel>], iteration_bounds = array<i64: 2, 16>, scalar_prefetch = 0 : i64, scratch_operands = 7 : i64, tpu.core_type = #tpu.core_type<sc_vector_subcore>, window_params = [{transform_indices = #map}, {transform_indices = #map1}, {transform_indices = #map1}]} {
    %mul3A = arith.constant 2 : i32
    %mul3A_0 = arith.muli %arg1, %mul3A : i32
    %add3A = arith.addi %mul3A_0, %arg0 : i32
    %mul3A_1 = arith.constant 25600 : i32
    %mul3A_2 = arith.muli %add3A, %mul3A_1 : i32
    "tpu.region"() ({
      %run_scoped3A = tpu.sem_alloc : memref<!tpu.dma_semaphore, #tpu.memory_space<semaphore_mem>>
      %dma_start3A_19 = tpu.memref_slice %arg2[%mul3A_2] : memref<819200xi32, #tpu.memory_space<hbm>> -> memref<25600xi32, #tpu.memory_space<hbm>>
      %dma_start3A_20 = tpu.memref_slice %arg2[%mul3A_2] : memref<819200xi32, #tpu.memory_space<hbm>> -> memref<25600xi32, #tpu.memory_space<hbm>>
      tpu.enqueue_dma source(%dma_start3A_20 : memref<25600xi32, #tpu.memory_space<hbm>>) target(%arg5 : memref<25600xi32, #tpu.memory_space<vmem>>) target_semaphore(%run_scoped3A : memref<!tpu.dma_semaphore, #tpu.memory_space<semaphore_mem>>)
      %dma_wait3A_21 = tpu.memref_slice %arg2[%mul3A_2] : memref<819200xi32, #tpu.memory_space<hbm>> -> memref<25600xi32, #tpu.memory_space<hbm>>
      %dma_wait3A_22 = tpu.memref_slice %arg2[%mul3A_2] : memref<819200xi32, #tpu.memory_space<hbm>> -> memref<25600xi32, #tpu.memory_space<hbm>>
      tpu.wait_dma2 semaphore(%run_scoped3A : memref<!tpu.dma_semaphore, #tpu.memory_space<semaphore_mem>>) src(%dma_wait3A_22 : memref<25600xi32, #tpu.memory_space<hbm>>) dst(%arg5 : memref<25600xi32, #tpu.memory_space<vmem>>)
      tpu.yield
    }) : () -> ()
    %dma_start3A = arith.constant 0 : i32
    %dma_start3A_3 = tpu.memref_slice %arg5[%dma_start3A] : memref<25600xi32, #tpu.memory_space<vmem>> -> memref<640xi32, #tpu.memory_space<vmem>>
    %dma_start3A_4 = arith.constant 0 : i32
    %dma_start3A_5 = arith.constant 0 : i32
    %dma_start3A_6 = tpu.memref_slice %arg3[%dma_start3A_4, %dma_start3A_5] : memref<1000000x64xf32, #tpu.memory_space<hbm>> -> memref<1000000x64xf32, #tpu.memory_space<hbm>>
    tpu.enqueue_indirect_dma source(%dma_start3A_6 : memref<1000000x64xf32, #tpu.memory_space<hbm>>) target(%arg6 : memref<640x64xf32, #tpu.memory_space<vmem>>) offsets(%dma_start3A_3 : memref<640xi32, #tpu.memory_space<vmem>>) semaphore(%arg8 : memref<!tpu.dma_semaphore, #tpu.memory_space<semaphore_mem>>)
    %scan3A = arith.constant 0 : i32
    %scan3A_7 = arith.constant 0 : i32
    %scan3A_8 = arith.constant 20 : i32
    %scan3A_9 = arith.addi %scan3A_7, %scan3A_8 : i32
    %scan3A_10 = arith.constant 1 : i32
    scf.for %scan3A_19 = %scan3A_7 to %scan3A_9 step %scan3A_10  : i32 {
      %mul3A_20 = arith.constant 2 : i32
      %mul3A_21 = arith.muli %scan3A_19, %mul3A_20 : i32
      %add3A_22 = arith.constant 0 : i32
      %add3A_23 = arith.addi %mul3A_21, %add3A_22 : i32
      %ge3A = arith.constant 1 : i32
      %ge3A_24 = arith.cmpi sge, %add3A_23, %ge3A : i32
      %add3A_25 = arith.constant 1 : i32
      %add3A_26 = arith.addi %add3A_23, %add3A_25 : i32
      %lt3A = arith.constant 40 : i32
      %lt3A_27 = arith.cmpi slt, %add3A_26, %lt3A : i32
      %and3A = arith.andi %ge3A_24, %lt3A_27 : i1
      %convert_element_type3A = arith.extui %and3A : i1 to i32
      %cond3A = arith.constant 0 : i32
      %cond3A_28 = arith.cmpi ne, %convert_element_type3A, %cond3A : i32
      scf.if %cond3A_28 {
        %dma_wait3A_91 = arith.constant 0 : i32
        %dma_wait3A_92 = tpu.memref_slice %arg4[%mul3A_2, %dma_wait3A_91] : memref<819200x64xf32, #tpu.memory_space<hbm>> -> memref<640x64xf32, #tpu.memory_space<hbm>>
        %dma_wait3A_93 = arith.constant 0 : i32
        %dma_wait3A_94 = tpu.memref_slice %arg4[%mul3A_2, %dma_wait3A_93] : memref<819200x64xf32, #tpu.memory_space<hbm>> -> memref<640x64xf32, #tpu.memory_space<hbm>>
        tpu.wait_dma2 semaphore(%arg11 : memref<!tpu.dma_semaphore, #tpu.memory_space<semaphore_mem>>) src(%arg7 : memref<640x64xf32, #tpu.memory_space<vmem>>) dst(%dma_wait3A_94 : memref<640x64xf32, #tpu.memory_space<hbm>>)
      } else {
      }
      %add3A_29 = arith.constant 1 : i32
      %add3A_30 = arith.addi %add3A_23, %add3A_29 : i32
      %lt3A_31 = arith.constant 40 : i32
      %lt3A_32 = arith.cmpi slt, %add3A_30, %lt3A_31 : i32
      %convert_element_type3A_33 = arith.extui %lt3A_32 : i1 to i32
      %cond3A_34 = arith.constant 0 : i32
      %cond3A_35 = arith.cmpi ne, %convert_element_type3A_33, %cond3A_34 : i32
      scf.if %cond3A_35 {
        %add3A_91 = arith.constant 1 : i32
        %add3A_92 = arith.addi %add3A_23, %add3A_91 : i32
        %mul3A_93 = arith.constant 640 : i32
        %mul3A_94 = arith.muli %add3A_92, %mul3A_93 : i32
        %dma_start3A_95 = tpu.memref_slice %arg5[%mul3A_94] : memref<25600xi32, #tpu.memory_space<vmem>> -> memref<640xi32, #tpu.memory_space<vmem>>
        %dma_start3A_96 = arith.constant 0 : i32
        %dma_start3A_97 = arith.constant 0 : i32
        %dma_start3A_98 = tpu.memref_slice %arg3[%dma_start3A_96, %dma_start3A_97] : memref<1000000x64xf32, #tpu.memory_space<hbm>> -> memref<1000000x64xf32, #tpu.memory_space<hbm>>
        tpu.enqueue_indirect_dma source(%dma_start3A_98 : memref<1000000x64xf32, #tpu.memory_space<hbm>>) target(%arg7 : memref<640x64xf32, #tpu.memory_space<vmem>>) offsets(%dma_start3A_95 : memref<640xi32, #tpu.memory_space<vmem>>) semaphore(%arg9 : memref<!tpu.dma_semaphore, #tpu.memory_space<semaphore_mem>>)
      } else {
      }
      %dma_wait3A_36 = arith.constant 0 : i32
      %dma_wait3A_37 = tpu.memref_slice %arg5[%dma_wait3A_36] : memref<25600xi32, #tpu.memory_space<vmem>> -> memref<640xi32, #tpu.memory_space<vmem>>
      %dma_wait3A_38 = arith.constant 0 : i32
      %dma_wait3A_39 = arith.constant 0 : i32
      %dma_wait3A_40 = tpu.memref_slice %arg3[%dma_wait3A_38, %dma_wait3A_39] : memref<1000000x64xf32, #tpu.memory_space<hbm>> -> memref<1000000x64xf32, #tpu.memory_space<hbm>>
      tpu.wait_indirect_dma semaphore(%arg8 : memref<!tpu.dma_semaphore, #tpu.memory_space<semaphore_mem>>) src(%dma_wait3A_40 : memref<1000000x64xf32, #tpu.memory_space<hbm>>) dst(%arg6 : memref<640x64xf32, #tpu.memory_space<vmem>>)
      %scan3A_41 = arith.constant 0 : i32
      %scan3A_42 = arith.constant 0 : i32
      %scan3A_43 = arith.constant 640 : i32
      %scan3A_44 = arith.addi %scan3A_42, %scan3A_43 : i32
      %scan3A_45 = arith.constant 8 : i32
      scf.for %scan3A_91 = %scan3A_42 to %scan3A_44 step %scan3A_45  : i32 {
        %get3A = arith.index_cast %scan3A_91 : i32 to index
        %get3A_92 = arith.constant 0 : index
        %get3A_93 = tpu.vector_load %arg6[%get3A, %get3A_92] {strides = array<i32>} : memref<640x64xf32, #tpu.memory_space<vmem>>, vector<1x16xf32>,
        %get3A_94 = vector.shape_cast %get3A_93 : vector<1x16xf32> to vector<16xf32>
        %mul3A_95 = arith.constant 8.000000e+00 : f32
        %mul3A_96 = vector.broadcast %mul3A_95 : f32 to vector<16xf32>
        %mul3A_97 = arith.mulf %get3A_94, %mul3A_96 : vector<16xf32>
        %swap3A = arith.index_cast %scan3A_91 : i32 to index
        %swap3A_98 = arith.constant 0 : index
        %swap3A_99 = tpu.vector_load %arg6[%swap3A, %swap3A_98] {strides = array<i32>} : memref<640x64xf32, #tpu.memory_space<vmem>>, vector<1x16xf32>,
        %swap3A_100 = vector.shape_cast %swap3A_99 : vector<1x16xf32> to vector<16xf32>
        %swap3A_101 = vector.shape_cast %mul3A_97 : vector<16xf32> to vector<1x16xf32>
        tpu.vector_store %arg6[%swap3A, %swap3A_98], %swap3A_101 {strides = array<i32>} : memref<640x64xf32, #tpu.memory_space<vmem>>, vector<1x16xf32>,
        %get3A_102 = arith.index_cast %scan3A_91 : i32 to index
        %get3A_103 = arith.constant 16 : index
        %get3A_104 = tpu.vector_load %arg6[%get3A_102, %get3A_103] {strides = array<i32>} : memref<640x64xf32, #tpu.memory_space<vmem>>, vector<1x16xf32>,
        %get3A_105 = vector.shape_cast %get3A_104 : vector<1x16xf32> to vector<16xf32>
        %mul3A_106 = arith.constant 8.000000e+00 : f32
        %mul3A_107 = vector.broadcast %mul3A_106 : f32 to vector<16xf32>
        %mul3A_108 = arith.mulf %get3A_105, %mul3A_107 : vector<16xf32>
        %swap3A_109 = arith.index_cast %scan3A_91 : i32 to index
        %swap3A_110 = arith.constant 16 : index
        %swap3A_111 = tpu.vector_load %arg6[%swap3A_109, %swap3A_110] {strides = array<i32>} : memref<640x64xf32, #tpu.memory_space<vmem>>, vector<1x16xf32>,
        %swap3A_112 = vector.shape_cast %swap3A_111 : vector<1x16xf32> to vector<16xf32>
        %swap3A_113 = vector.shape_cast %mul3A_108 : vector<16xf32> to vector<1x16xf32>
        tpu.vector_store %arg6[%swap3A_109, %swap3A_110], %swap3A_113 {strides = array<i32>} : memref<640x64xf32, #tpu.memory_space<vmem>>, vector<1x16xf32>,
        %get3A_114 = arith.index_cast %scan3A_91 : i32 to index
        %get3A_115 = arith.constant 32 : index
        %get3A_116 = tpu.vector_load %arg6[%get3A_114, %get3A_115] {strides = array<i32>} : memref<640x64xf32, #tpu.memory_space<vmem>>, vector<1x16xf32>,
        %get3A_117 = vector.shape_cast %get3A_116 : vector<1x16xf32> to vector<16xf32>
        %mul3A_118 = arith.constant 8.000000e+00 : f32
        %mul3A_119 = vector.broadcast %mul3A_118 : f32 to vector<16xf32>
        %mul3A_120 = arith.mulf %get3A_117, %mul3A_119 : vector<16xf32>
        %swap3A_121 = arith.index_cast %scan3A_91 : i32 to index
        %swap3A_122 = arith.constant 32 : index
        %swap3A_123 = tpu.vector_load %arg6[%swap3A_121, %swap3A_122] {strides = array<i32>} : memref<640x64xf32, #tpu.memory_space<vmem>>, vector<1x16xf32>,
        %swap3A_124 = vector.shape_cast %swap3A_123 : vector<1x16xf32> to vector<16xf32>
        %swap3A_125 = vector.shape_cast %mul3A_120 : vector<16xf32> to vector<1x16xf32>
        tpu.vector_store %arg6[%swap3A_121, %swap3A_122], %swap3A_125 {strides = array<i32>} : memref<640x64xf32, #tpu.memory_space<vmem>>, vector<1x16xf32>,
        %get3A_126 = arith.index_cast %scan3A_91 : i32 to index
        %get3A_127 = arith.constant 48 : index
        %get3A_128 = tpu.vector_load %arg6[%get3A_126, %get3A_127] {strides = array<i32>} : memref<640x64xf32, #tpu.memory_space<vmem>>, vector<1x16xf32>,
        %get3A_129 = vector.shape_cast %get3A_128 : vector<1x16xf32> to vector<16xf32>
        %mul3A_130 = arith.constant 8.000000e+00 : f32
        %mul3A_131 = vector.broadcast %mul3A_130 : f32 to vector<16xf32>
        %mul3A_132 = arith.mulf %get3A_129, %mul3A_131 : vector<16xf32>
        %swap3A_133 = arith.index_cast %scan3A_91 : i32 to index
        %swap3A_134 = arith.constant 48 : index
        %swap3A_135 = tpu.vector_load %arg6[%swap3A_133, %swap3A_134] {strides = array<i32>} : memref<640x64xf32, #tpu.memory_space<vmem>>, vector<1x16xf32>,
        %swap3A_136 = vector.shape_cast %swap3A_135 : vector<1x16xf32> to vector<16xf32>
        %swap3A_137 = vector.shape_cast %mul3A_132 : vector<16xf32> to vector<1x16xf32>
        tpu.vector_store %arg6[%swap3A_133, %swap3A_134], %swap3A_137 {strides = array<i32>} : memref<640x64xf32, #tpu.memory_space<vmem>>, vector<1x16xf32>,
        %scan3A_138 = arith.constant 1 : i32
        %scan3A_139 = arith.addi %scan3A_91, %scan3A_138 : i32
        %get3A_140 = arith.index_cast %scan3A_139 : i32 to index
        %get3A_141 = arith.constant 0 : index
        %get3A_142 = tpu.vector_load %arg6[%get3A_140, %get3A_141] {strides = array<i32>} : memref<640x64xf32, #tpu.memory_space<vmem>>, vector<1x16xf32>,
        %get3A_143 = vector.shape_cast %get3A_142 : vector<1x16xf32> to vector<16xf32>
        %mul3A_144 = arith.constant 8.000000e+00 : f32
        %mul3A_145 = vector.broadcast %mul3A_144 : f32 to vector<16xf32>
        %mul3A_146 = arith.mulf %get3A_143, %mul3A_145 : vector<16xf32>
        %swap3A_147 = arith.index_cast %scan3A_139 : i32 to index
        %swap3A_148 = arith.constant 0 : index
        %swap3A_149 = tpu.vector_load %arg6[%swap3A_147, %swap3A_148] {strides = array<i32>} : memref<640x64xf32, #tpu.memory_space<vmem>>, vector<1x16xf32>,
        %swap3A_150 = vector.shape_cast %swap3A_149 : vector<1x16xf32> to vector<16xf32>
        %swap3A_151 = vector.shape_cast %mul3A_146 : vector<16xf32> to vector<1x16xf32>
        tpu.vector_store %arg6[%swap3A_147, %swap3A_148], %swap3A_151 {strides = array<i32>} : memref<640x64xf32, #tpu.memory_space<vmem>>, vector<1x16xf32>,
        %get3A_152 = arith.index_cast %scan3A_139 : i32 to index
        %get3A_153 = arith.constant 16 : index
        %get3A_154 = tpu.vector_load %arg6[%get3A_152, %get3A_153] {strides = array<i32>} : memref<640x64xf32, #tpu.memory_space<vmem>>, vector<1x16xf32>,
        %get3A_155 = vector.shape_cast %get3A_154 : vector<1x16xf32> to vector<16xf32>
        %mul3A_156 = arith.constant 8.000000e+00 : f32
        %mul3A_157 = vector.broadcast %mul3A_156 : f32 to vector<16xf32>
        %mul3A_158 = arith.mulf %get3A_155, %mul3A_157 : vector<16xf32>
        %swap3A_159 = arith.index_cast %scan3A_139 : i32 to index
        %swap3A_160 = arith.constant 16 : index
        %swap3A_161 = tpu.vector_load %arg6[%swap3A_159, %swap3A_160] {strides = array<i32>} : memref<640x64xf32, #tpu.memory_space<vmem>>, vector<1x16xf32>,
        %swap3A_162 = vector.shape_cast %swap3A_161 : vector<1x16xf32> to vector<16xf32>
        %swap3A_163 = vector.shape_cast %mul3A_158 : vector<16xf32> to vector<1x16xf32>
        tpu.vector_store %arg6[%swap3A_159, %swap3A_160], %swap3A_163 {strides = array<i32>} : memref<640x64xf32, #tpu.memory_space<vmem>>, vector<1x16xf32>,
        %get3A_164 = arith.index_cast %scan3A_139 : i32 to index
        %get3A_165 = arith.constant 32 : index
        %get3A_166 = tpu.vector_load %arg6[%get3A_164, %get3A_165] {strides = array<i32>} : memref<640x64xf32, #tpu.memory_space<vmem>>, vector<1x16xf32>,
        %get3A_167 = vector.shape_cast %get3A_166 : vector<1x16xf32> to vector<16xf32>
        %mul3A_168 = arith.constant 8.000000e+00 : f32
        %mul3A_169 = vector.broadcast %mul3A_168 : f32 to vector<16xf32>
        %mul3A_170 = arith.mulf %get3A_167, %mul3A_169 : vector<16xf32>
        %swap3A_171 = arith.index_cast %scan3A_139 : i32 to index
        %swap3A_172 = arith.constant 32 : index
        %swap3A_173 = tpu.vector_load %arg6[%swap3A_171, %swap3A_172] {strides = array<i32>} : memref<640x64xf32, #tpu.memory_space<vmem>>, vector<1x16xf32>,
        %swap3A_174 = vector.shape_cast %swap3A_173 : vector<1x16xf32> to vector<16xf32>
        %swap3A_175 = vector.shape_cast %mul3A_170 : vector<16xf32> to vector<1x16xf32>
        tpu.vector_store %arg6[%swap3A_171, %swap3A_172], %swap3A_175 {strides = array<i32>} : memref<640x64xf32, #tpu.memory_space<vmem>>, vector<1x16xf32>,
        %get3A_176 = arith.index_cast %scan3A_139 : i32 to index
        %get3A_177 = arith.constant 48 : index
        %get3A_178 = tpu.vector_load %arg6[%get3A_176, %get3A_177] {strides = array<i32>} : memref<640x64xf32, #tpu.memory_space<vmem>>, vector<1x16xf32>,
        %get3A_179 = vector.shape_cast %get3A_178 : vector<1x16xf32> to vector<16xf32>
        %mul3A_180 = arith.constant 8.000000e+00 : f32
        %mul3A_181 = vector.broadcast %mul3A_180 : f32 to vector<16xf32>
        %mul3A_182 = arith.mulf %get3A_179, %mul3A_181 : vector<16xf32>
        %swap3A_183 = arith.index_cast %scan3A_139 : i32 to index
        %swap3A_184 = arith.constant 48 : index
        %swap3A_185 = tpu.vector_load %arg6[%swap3A_183, %swap3A_184] {strides = array<i32>} : memref<640x64xf32, #tpu.memory_space<vmem>>, vector<1x16xf32>,
        %swap3A_186 = vector.shape_cast %swap3A_185 : vector<1x16xf32> to vector<16xf32>
        %swap3A_187 = vector.shape_cast %mul3A_182 : vector<16xf32> to vector<1x16xf32>
        tpu.vector_store %arg6[%swap3A_183, %swap3A_184], %swap3A_187 {strides = array<i32>} : memref<640x64xf32, #tpu.memory_space<vmem>>, vector<1x16xf32>,
        %scan3A_188 = arith.constant 2 : i32
        %scan3A_189 = arith.addi %scan3A_91, %scan3A_188 : i32
        %get3A_190 = arith.index_cast %scan3A_189 : i32 to index
        %get3A_191 = arith.constant 0 : index
        %get3A_192 = tpu.vector_load %arg6[%get3A_190, %get3A_191] {strides = array<i32>} : memref<640x64xf32, #tpu.memory_space<vmem>>, vector<1x16xf32>,
        %get3A_193 = vector.shape_cast %get3A_192 : vector<1x16xf32> to vector<16xf32>
        %mul3A_194 = arith.constant 8.000000e+00 : f32
        %mul3A_195 = vector.broadcast %mul3A_194 : f32 to vector<16xf32>
        %mul3A_196 = arith.mulf %get3A_193, %mul3A_195 : vector<16xf32>
        %swap3A_197 = arith.index_cast %scan3A_189 : i32 to index
        %swap3A_198 = arith.constant 0 : index
        %swap3A_199 = tpu.vector_load %arg6[%swap3A_197, %swap3A_198] {strides = array<i32>} : memref<640x64xf32, #tpu.memory_space<vmem>>, vector<1x16xf32>,
        %swap3A_200 = vector.shape_cast %swap3A_199 : vector<1x16xf32> to vector<16xf32>
        %swap3A_201 = vector.shape_cast %mul3A_196 : vector<16xf32> to vector<1x16xf32>
        tpu.vector_store %arg6[%swap3A_197, %swap3A_198], %swap3A_201 {strides = array<i32>} : memref<640x64xf32, #tpu.memory_space<vmem>>, vector<1x16xf32>,
        %get3A_202 = arith.index_cast %scan3A_189 : i32 to index
        %get3A_203 = arith.constant 16 : index
        %get3A_204 = tpu.vector_load %arg6[%get3A_202, %get3A_203] {strides = array<i32>} : memref<640x64xf32, #tpu.memory_space<vmem>>, vector<1x16xf32>,
        %get3A_205 = vector.shape_cast %get3A_204 : vector<1x16xf32> to vector<16xf32>
        %mul3A_206 = arith.constant 8.000000e+00 : f32
        %mul3A_207 = vector.broadcast %mul3A_206 : f32 to vector<16xf32>
        %mul3A_208 = arith.mulf %get3A_205, %mul3A_207 : vector<16xf32>
        %swap3A_209 = arith.index_cast %scan3A_189 : i32 to index
        %swap3A_210 = arith.constant 16 : index
        %swap3A_211 = tpu.vector_load %arg6[%swap3A_209, %swap3A_210] {strides = array<i32>} : memref<640x64xf32, #tpu.memory_space<vmem>>, vector<1x16xf32>,
        %swap3A_212 = vector.shape_cast %swap3A_211 : vector<1x16xf32> to vector<16xf32>
        %swap3A_213 = vector.shape_cast %mul3A_208 : vector<16xf32> to vector<1x16xf32>
        tpu.vector_store %arg6[%swap3A_209, %swap3A_210], %swap3A_213 {strides = array<i32>} : memref<640x64xf32, #tpu.memory_space<vmem>>, vector<1x16xf32>,
        %get3A_214 = arith.index_cast %scan3A_189 : i32 to index
        %get3A_215 = arith.constant 32 : index
        %get3A_216 = tpu.vector_load %arg6[%get3A_214, %get3A_215] {strides = array<i32>} : memref<640x64xf32, #tpu.memory_space<vmem>>, vector<1x16xf32>,
        %get3A_217 = vector.shape_cast %get3A_216 : vector<1x16xf32> to vector<16xf32>
        %mul3A_218 = arith.constant 8.000000e+00 : f32
        %mul3A_219 = vector.broadcast %mul3A_218 : f32 to vector<16xf32>
        %mul3A_220 = arith.mulf %get3A_217, %mul3A_219 : vector<16xf32>
        %swap3A_221 = arith.index_cast %scan3A_189 : i32 to index
        %swap3A_222 = arith.constant 32 : index
        %swap3A_223 = tpu.vector_load %arg6[%swap3A_221, %swap3A_222] {strides = array<i32>} : memref<640x64xf32, #tpu.memory_space<vmem>>, vector<1x16xf32>,
        %swap3A_224 = vector.shape_cast %swap3A_223 : vector<1x16xf32> to vector<16xf32>
        %swap3A_225 = vector.shape_cast %mul3A_220 : vector<16xf32> to vector<1x16xf32>
        tpu.vector_store %arg6[%swap3A_221, %swap3A_222], %swap3A_225 {strides = array<i32>} : memref<640x64xf32, #tpu.memory_space<vmem>>, vector<1x16xf32>,
        %get3A_226 = arith.index_cast %scan3A_189 : i32 to index
        %get3A_227 = arith.constant 48 : index
        %get3A_228 = tpu.vector_load %arg6[%get3A_226, %get3A_227] {strides = array<i32>} : memref<640x64xf32, #tpu.memory_space<vmem>>, vector<1x16xf32>,
        %get3A_229 = vector.shape_cast %get3A_228 : vector<1x16xf32> to vector<16xf32>
        %mul3A_230 = arith.constant 8.000000e+00 : f32
        %mul3A_231 = vector.broadcast %mul3A_230 : f32 to vector<16xf32>
        %mul3A_232 = arith.mulf %get3A_229, %mul3A_231 : vector<16xf32>
        %swap3A_233 = arith.index_cast %scan3A_189 : i32 to index
        %swap3A_234 = arith.constant 48 : index
        %swap3A_235 = tpu.vector_load %arg6[%swap3A_233, %swap3A_234] {strides = array<i32>} : memref<640x64xf32, #tpu.memory_space<vmem>>, vector<1x16xf32>,
        %swap3A_236 = vector.shape_cast %swap3A_235 : vector<1x16xf32> to vector<16xf32>
        %swap3A_237 = vector.shape_cast %mul3A_232 : vector<16xf32> to vector<1x16xf32>
        tpu.vector_store %arg6[%swap3A_233, %swap3A_234], %swap3A_237 {strides = array<i32>} : memref<640x64xf32, #tpu.memory_space<vmem>>, vector<1x16xf32>,
        %scan3A_238 = arith.constant 3 : i32
        %scan3A_239 = arith.addi %scan3A_91, %scan3A_238 : i32
        %get3A_240 = arith.index_cast %scan3A_239 : i32 to index
        %get3A_241 = arith.constant 0 : index
        %get3A_242 = tpu.vector_load %arg6[%get3A_240, %get3A_241] {strides = array<i32>} : memref<640x64xf32, #tpu.memory_space<vmem>>, vector<1x16xf32>,
        %get3A_243 = vector.shape_cast %get3A_242 : vector<1x16xf32> to vector<16xf32>
        %mul3A_244 = arith.constant 8.000000e+00 : f32
        %mul3A_245 = vector.broadcast %mul3A_244 : f32 to vector<16xf32>
        %mul3A_246 = arith.mulf %get3A_243, %mul3A_245 : vector<16xf32>
        %swap3A_247 = arith.index_cast %scan3A_239 : i32 to index
        %swap3A_248 = arith.constant 0 : index
        %swap3A_249 = tpu.vector_load %arg6[%swap3A_247, %swap3A_248] {strides = array<i32>} : memref<640x64xf32, #tpu.memory_space<vmem>>, vector<1x16xf32>,
        %swap3A_250 = vector.shape_cast %swap3A_249 : vector<1x16xf32> to vector<16xf32>
        %swap3A_251 = vector.shape_cast %mul3A_246 : vector<16xf32> to vector<1x16xf32>
        tpu.vector_store %arg6[%swap3A_247, %swap3A_248], %swap3A_251 {strides = array<i32>} : memref<640x64xf32, #tpu.memory_space<vmem>>, vector<1x16xf32>,
        %get3A_252 = arith.index_cast %scan3A_239 : i32 to index
        %get3A_253 = arith.constant 16 : index
        %get3A_254 = tpu.vector_load %arg6[%get3A_252, %get3A_253] {strides = array<i32>} : memref<640x64xf32, #tpu.memory_space<vmem>>, vector<1x16xf32>,
        %get3A_255 = vector.shape_cast %get3A_254 : vector<1x16xf32> to vector<16xf32>
        %mul3A_256 = arith.constant 8.000000e+00 : f32
        %mul3A_257 = vector.broadcast %mul3A_256 : f32 to vector<16xf32>
        %mul3A_258 = arith.mulf %get3A_255, %mul3A_257 : vector<16xf32>
        %swap3A_259 = arith.index_cast %scan3A_239 : i32 to index
        %swap3A_260 = arith.constant 16 : index
        %swap3A_261 = tpu.vector_load %arg6[%swap3A_259, %swap3A_260] {strides = array<i32>} : memref<640x64xf32, #tpu.memory_space<vmem>>, vector<1x16xf32>,
        %swap3A_262 = vector.shape_cast %swap3A_261 : vector<1x16xf32> to vector<16xf32>
        %swap3A_263 = vector.shape_cast %mul3A_258 : vector<16xf32> to vector<1x16xf32>
        tpu.vector_store %arg6[%swap3A_259, %swap3A_260], %swap3A_263 {strides = array<i32>} : memref<640x64xf32, #tpu.memory_space<vmem>>, vector<1x16xf32>,
        %get3A_264 = arith.index_cast %scan3A_239 : i32 to index
        %get3A_265 = arith.constant 32 : index
        %get3A_266 = tpu.vector_load %arg6[%get3A_264, %get3A_265] {strides = array<i32>} : memref<640x64xf32, #tpu.memory_space<vmem>>, vector<1x16xf32>,
        %get3A_267 = vector.shape_cast %get3A_266 : vector<1x16xf32> to vector<16xf32>
        %mul3A_268 = arith.constant 8.000000e+00 : f32
        %mul3A_269 = vector.broadcast %mul3A_268 : f32 to vector<16xf32>
        %mul3A_270 = arith.mulf %get3A_267, %mul3A_269 : vector<16xf32>
        %swap3A_271 = arith.index_cast %scan3A_239 : i32 to index
        %swap3A_272 = arith.constant 32 : index
        %swap3A_273 = tpu.vector_load %arg6[%swap3A_271, %swap3A_272] {strides = array<i32>} : memref<640x64xf32, #tpu.memory_space<vmem>>, vector<1x16xf32>,
        %swap3A_274 = vector.shape_cast %swap3A_273 : vector<1x16xf32> to vector<16xf32>
        %swap3A_275 = vector.shape_cast %mul3A_270 : vector<16xf32> to vector<1x16xf32>
        tpu.vector_store %arg6[%swap3A_271, %swap3A_272], %swap3A_275 {strides = array<i32>} : memref<640x64xf32, #tpu.memory_space<vmem>>, vector<1x16xf32>,
        %get3A_276 = arith.index_cast %scan3A_239 : i32 to index
        %get3A_277 = arith.constant 48 : index
        %get3A_278 = tpu.vector_load %arg6[%get3A_276, %get3A_277] {strides = array<i32>} : memref<640x64xf32, #tpu.memory_space<vmem>>, vector<1x16xf32>,
        %get3A_279 = vector.shape_cast %get3A_278 : vector<1x16xf32> to vector<16xf32>
        %mul3A_280 = arith.constant 8.000000e+00 : f32
        %mul3A_281 = vector.broadcast %mul3A_280 : f32 to vector<16xf32>
        %mul3A_282 = arith.mulf %get3A_279, %mul3A_281 : vector<16xf32>
        %swap3A_283 = arith.index_cast %scan3A_239 : i32 to index
        %swap3A_284 = arith.constant 48 : index
        %swap3A_285 = tpu.vector_load %arg6[%swap3A_283, %swap3A_284] {strides = array<i32>} : memref<640x64xf32, #tpu.memory_space<vmem>>, vector<1x16xf32>,
        %swap3A_286 = vector.shape_cast %swap3A_285 : vector<1x16xf32> to vector<16xf32>
        %swap3A_287 = vector.shape_cast %mul3A_282 : vector<16xf32> to vector<1x16xf32>
        tpu.vector_store %arg6[%swap3A_283, %swap3A_284], %swap3A_287 {strides = array<i32>} : memref<640x64xf32, #tpu.memory_space<vmem>>, vector<1x16xf32>,
        %scan3A_288 = arith.constant 4 : i32
        %scan3A_289 = arith.addi %scan3A_91, %scan3A_288 : i32
        %get3A_290 = arith.index_cast %scan3A_289 : i32 to index
        %get3A_291 = arith.constant 0 : index
        %get3A_292 = tpu.vector_load %arg6[%get3A_290, %get3A_291] {strides = array<i32>} : memref<640x64xf32, #tpu.memory_space<vmem>>, vector<1x16xf32>,
        %get3A_293 = vector.shape_cast %get3A_292 : vector<1x16xf32> to vector<16xf32>
        %mul3A_294 = arith.constant 8.000000e+00 : f32
        %mul3A_295 = vector.broadcast %mul3A_294 : f32 to vector<16xf32>
        %mul3A_296 = arith.mulf %get3A_293, %mul3A_295 : vector<16xf32>
        %swap3A_297 = arith.index_cast %scan3A_289 : i32 to index
        %swap3A_298 = arith.constant 0 : index
        %swap3A_299 = tpu.vector_load %arg6[%swap3A_297, %swap3A_298] {strides = array<i32>} : memref<640x64xf32, #tpu.memory_space<vmem>>, vector<1x16xf32>,
        %swap3A_300 = vector.shape_cast %swap3A_299 : vector<1x16xf32> to vector<16xf32>
        %swap3A_301 = vector.shape_cast %mul3A_296 : vector<16xf32> to vector<1x16xf32>
        tpu.vector_store %arg6[%swap3A_297, %swap3A_298], %swap3A_301 {strides = array<i32>} : memref<640x64xf32, #tpu.memory_space<vmem>>, vector<1x16xf32>,
        %get3A_302 = arith.index_cast %scan3A_289 : i32 to index
        %get3A_303 = arith.constant 16 : index
        %get3A_304 = tpu.vector_load %arg6[%get3A_302, %get3A_303] {strides = array<i32>} : memref<640x64xf32, #tpu.memory_space<vmem>>, vector<1x16xf32>,
        %get3A_305 = vector.shape_cast %get3A_304 : vector<1x16xf32> to vector<16xf32>
        %mul3A_306 = arith.constant 8.000000e+00 : f32
        %mul3A_307 = vector.broadcast %mul3A_306 : f32 to vector<16xf32>
        %mul3A_308 = arith.mulf %get3A_305, %mul3A_307 : vector<16xf32>
        %swap3A_309 = arith.index_cast %scan3A_289 : i32 to index
        %swap3A_310 = arith.constant 16 : index
        %swap3A_311 = tpu.vector_load %arg6[%swap3A_309, %swap3A_310] {strides = array<i32>} : memref<640x64xf32, #tpu.memory_space<vmem>>, vector<1x16xf32>,
        %swap3A_312 = vector.shape_cast %swap3A_311 : vector<1x16xf32> to vector<16xf32>
        %swap3A_313 = vector.shape_cast %mul3A_308 : vector<16xf32> to vector<1x16xf32>
        tpu.vector_store %arg6[%swap3A_309, %swap3A_310], %swap3A_313 {strides = array<i32>} : memref<640x64xf32, #tpu.memory_space<vmem>>, vector<1x16xf32>,
        %get3A_314 = arith.index_cast %scan3A_289 : i32 to index
        %get3A_315 = arith.constant 32 : index
        %get3A_316 = tpu.vector_load %arg6[%get3A_314, %get3A_315] {strides = array<i32>} : memref<640x64xf32, #tpu.memory_space<vmem>>, vector<1x16xf32>,
        %get3A_317 = vector.shape_cast %get3A_316 : vector<1x16xf32> to vector<16xf32>
        %mul3A_318 = arith.constant 8.000000e+00 : f32
        %mul3A_319 = vector.broadcast %mul3A_318 : f32 to vector<16xf32>
        %mul3A_320 = arith.mulf %get3A_317, %mul3A_319 : vector<16xf32>
        %swap3A_321 = arith.index_cast %scan3A_289 : i32 to index
        %swap3A_322 = arith.constant 32 : index
        %swap3A_323 = tpu.vector_load %arg6[%swap3A_321, %swap3A_322] {strides = array<i32>} : memref<640x64xf32, #tpu.memory_space<vmem>>, vector<1x16xf32>,
        %swap3A_324 = vector.shape_cast %swap3A_323 : vector<1x16xf32> to vector<16xf32>
        %swap3A_325 = vector.shape_cast %mul3A_320 : vector<16xf32> to vector<1x16xf32>
        tpu.vector_store %arg6[%swap3A_321, %swap3A_322], %swap3A_325 {strides = array<i32>} : memref<640x64xf32, #tpu.memory_space<vmem>>, vector<1x16xf32>,
        %get3A_326 = arith.index_cast %scan3A_289 : i32 to index
        %get3A_327 = arith.constant 48 : index
        %get3A_328 = tpu.vector_load %arg6[%get3A_326, %get3A_327] {strides = array<i32>} : memref<640x64xf32, #tpu.memory_space<vmem>>, vector<1x16xf32>,
        %get3A_329 = vector.shape_cast %get3A_328 : vector<1x16xf32> to vector<16xf32>
        %mul3A_330 = arith.constant 8.000000e+00 : f32
        %mul3A_331 = vector.broadcast %mul3A_330 : f32 to vector<16xf32>
        %mul3A_332 = arith.mulf %get3A_329, %mul3A_331 : vector<16xf32>
        %swap3A_333 = arith.index_cast %scan3A_289 : i32 to index
        %swap3A_334 = arith.constant 48 : index
        %swap3A_335 = tpu.vector_load %arg6[%swap3A_333, %swap3A_334] {strides = array<i32>} : memref<640x64xf32, #tpu.memory_space<vmem>>, vector<1x16xf32>,
        %swap3A_336 = vector.shape_cast %swap3A_335 : vector<1x16xf32> to vector<16xf32>
        %swap3A_337 = vector.shape_cast %mul3A_332 : vector<16xf32> to vector<1x16xf32>
        tpu.vector_store %arg6[%swap3A_333, %swap3A_334], %swap3A_337 {strides = array<i32>} : memref<640x64xf32, #tpu.memory_space<vmem>>, vector<1x16xf32>,
        %scan3A_338 = arith.constant 5 : i32
        %scan3A_339 = arith.addi %scan3A_91, %scan3A_338 : i32
        %get3A_340 = arith.index_cast %scan3A_339 : i32 to index
        %get3A_341 = arith.constant 0 : index
        %get3A_342 = tpu.vector_load %arg6[%get3A_340, %get3A_341] {strides = array<i32>} : memref<640x64xf32, #tpu.memory_space<vmem>>, vector<1x16xf32>,
        %get3A_343 = vector.shape_cast %get3A_342 : vector<1x16xf32> to vector<16xf32>
        %mul3A_344 = arith.constant 8.000000e+00 : f32
        %mul3A_345 = vector.broadcast %mul3A_344 : f32 to vector<16xf32>
        %mul3A_346 = arith.mulf %get3A_343, %mul3A_345 : vector<16xf32>
        %swap3A_347 = arith.index_cast %scan3A_339 : i32 to index
        %swap3A_348 = arith.constant 0 : index
        %swap3A_349 = tpu.vector_load %arg6[%swap3A_347, %swap3A_348] {strides = array<i32>} : memref<640x64xf32, #tpu.memory_space<vmem>>, vector<1x16xf32>,
        %swap3A_350 = vector.shape_cast %swap3A_349 : vector<1x16xf32> to vector<16xf32>
        %swap3A_351 = vector.shape_cast %mul3A_346 : vector<16xf32> to vector<1x16xf32>
        tpu.vector_store %arg6[%swap3A_347, %swap3A_348], %swap3A_351 {strides = array<i32>} : memref<640x64xf32, #tpu.memory_space<vmem>>, vector<1x16xf32>,
        %get3A_352 = arith.index_cast %scan3A_339 : i32 to index
        %get3A_353 = arith.constant 16 : index
        %get3A_354 = tpu.vector_load %arg6[%get3A_352, %get3A_353] {strides = array<i32>} : memref<640x64xf32, #tpu.memory_space<vmem>>, vector<1x16xf32>,
        %get3A_355 = vector.shape_cast %get3A_354 : vector<1x16xf32> to vector<16xf32>
        %mul3A_356 = arith.constant 8.000000e+00 : f32
        %mul3A_357 = vector.broadcast %mul3A_356 : f32 to vector<16xf32>
        %mul3A_358 = arith.mulf %get3A_355, %mul3A_357 : vector<16xf32>
        %swap3A_359 = arith.index_cast %scan3A_339 : i32 to index
        %swap3A_360 = arith.constant 16 : index
        %swap3A_361 = tpu.vector_load %arg6[%swap3A_359, %swap3A_360] {strides = array<i32>} : memref<640x64xf32, #tpu.memory_space<vmem>>, vector<1x16xf32>,
        %swap3A_362 = vector.shape_cast %swap3A_361 : vector<1x16xf32> to vector<16xf32>
        %swap3A_363 = vector.shape_cast %mul3A_358 : vector<16xf32> to vector<1x16xf32>
        tpu.vector_store %arg6[%swap3A_359, %swap3A_360], %swap3A_363 {strides = array<i32>} : memref<640x64xf32, #tpu.memory_space<vmem>>, vector<1x16xf32>,
        %get3A_364 = arith.index_cast %scan3A_339 : i32 to index
        %get3A_365 = arith.constant 32 : index
        %get3A_366 = tpu.vector_load %arg6[%get3A_364, %get3A_365] {strides = array<i32>} : memref<640x64xf32, #tpu.memory_space<vmem>>, vector<1x16xf32>,
        %get3A_367 = vector.shape_cast %get3A_366 : vector<1x16xf32> to vector<16xf32>
        %mul3A_368 = arith.constant 8.000000e+00 : f32
        %mul3A_369 = vector.broadcast %mul3A_368 : f32 to vector<16xf32>
        %mul3A_370 = arith.mulf %get3A_367, %mul3A_369 : vector<16xf32>
        %swap3A_371 = arith.index_cast %scan3A_339 : i32 to index
        %swap3A_372 = arith.constant 32 : index
        %swap3A_373 = tpu.vector_load %arg6[%swap3A_371, %swap3A_372] {strides = array<i32>} : memref<640x64xf32, #tpu.memory_space<vmem>>, vector<1x16xf32>,
        %swap3A_374 = vector.shape_cast %swap3A_373 : vector<1x16xf32> to vector<16xf32>
        %swap3A_375 = vector.shape_cast %mul3A_370 : vector<16xf32> to vector<1x16xf32>
        tpu.vector_store %arg6[%swap3A_371, %swap3A_372], %swap3A_375 {strides = array<i32>} : memref<640x64xf32, #tpu.memory_space<vmem>>, vector<1x16xf32>,
        %get3A_376 = arith.index_cast %scan3A_339 : i32 to index
        %get3A_377 = arith.constant 48 : index
        %get3A_378 = tpu.vector_load %arg6[%get3A_376, %get3A_377] {strides = array<i32>} : memref<640x64xf32, #tpu.memory_space<vmem>>, vector<1x16xf32>,
        %get3A_379 = vector.shape_cast %get3A_378 : vector<1x16xf32> to vector<16xf32>
        %mul3A_380 = arith.constant 8.000000e+00 : f32
        %mul3A_381 = vector.broadcast %mul3A_380 : f32 to vector<16xf32>
        %mul3A_382 = arith.mulf %get3A_379, %mul3A_381 : vector<16xf32>
        %swap3A_383 = arith.index_cast %scan3A_339 : i32 to index
        %swap3A_384 = arith.constant 48 : index
        %swap3A_385 = tpu.vector_load %arg6[%swap3A_383, %swap3A_384] {strides = array<i32>} : memref<640x64xf32, #tpu.memory_space<vmem>>, vector<1x16xf32>,
        %swap3A_386 = vector.shape_cast %swap3A_385 : vector<1x16xf32> to vector<16xf32>
        %swap3A_387 = vector.shape_cast %mul3A_382 : vector<16xf32> to vector<1x16xf32>
        tpu.vector_store %arg6[%swap3A_383, %swap3A_384], %swap3A_387 {strides = array<i32>} : memref<640x64xf32, #tpu.memory_space<vmem>>, vector<1x16xf32>,
        %scan3A_388 = arith.constant 6 : i32
        %scan3A_389 = arith.addi %scan3A_91, %scan3A_388 : i32
        %get3A_390 = arith.index_cast %scan3A_389 : i32 to index
        %get3A_391 = arith.constant 0 : index
        %get3A_392 = tpu.vector_load %arg6[%get3A_390, %get3A_391] {strides = array<i32>} : memref<640x64xf32, #tpu.memory_space<vmem>>, vector<1x16xf32>,
        %get3A_393 = vector.shape_cast %get3A_392 : vector<1x16xf32> to vector<16xf32>
        %mul3A_394 = arith.constant 8.000000e+00 : f32
        %mul3A_395 = vector.broadcast %mul3A_394 : f32 to vector<16xf32>
        %mul3A_396 = arith.mulf %get3A_393, %mul3A_395 : vector<16xf32>
        %swap3A_397 = arith.index_cast %scan3A_389 : i32 to index
        %swap3A_398 = arith.constant 0 : index
        %swap3A_399 = tpu.vector_load %arg6[%swap3A_397, %swap3A_398] {strides = array<i32>} : memref<640x64xf32, #tpu.memory_space<vmem>>, vector<1x16xf32>,
        %swap3A_400 = vector.shape_cast %swap3A_399 : vector<1x16xf32> to vector<16xf32>
        %swap3A_401 = vector.shape_cast %mul3A_396 : vector<16xf32> to vector<1x16xf32>
        tpu.vector_store %arg6[%swap3A_397, %swap3A_398], %swap3A_401 {strides = array<i32>} : memref<640x64xf32, #tpu.memory_space<vmem>>, vector<1x16xf32>,
        %get3A_402 = arith.index_cast %scan3A_389 : i32 to index
        %get3A_403 = arith.constant 16 : index
        %get3A_404 = tpu.vector_load %arg6[%get3A_402, %get3A_403] {strides = array<i32>} : memref<640x64xf32, #tpu.memory_space<vmem>>, vector<1x16xf32>,
        %get3A_405 = vector.shape_cast %get3A_404 : vector<1x16xf32> to vector<16xf32>
        %mul3A_406 = arith.constant 8.000000e+00 : f32
        %mul3A_407 = vector.broadcast %mul3A_406 : f32 to vector<16xf32>
        %mul3A_408 = arith.mulf %get3A_405, %mul3A_407 : vector<16xf32>
        %swap3A_409 = arith.index_cast %scan3A_389 : i32 to index
        %swap3A_410 = arith.constant 16 : index
        %swap3A_411 = tpu.vector_load %arg6[%swap3A_409, %swap3A_410] {strides = array<i32>} : memref<640x64xf32, #tpu.memory_space<vmem>>, vector<1x16xf32>,
        %swap3A_412 = vector.shape_cast %swap3A_411 : vector<1x16xf32> to vector<16xf32>
        %swap3A_413 = vector.shape_cast %mul3A_408 : vector<16xf32> to vector<1x16xf32>
        tpu.vector_store %arg6[%swap3A_409, %swap3A_410], %swap3A_413 {strides = array<i32>} : memref<640x64xf32, #tpu.memory_space<vmem>>, vector<1x16xf32>,
        %get3A_414 = arith.index_cast %scan3A_389 : i32 to index
        %get3A_415 = arith.constant 32 : index
        %get3A_416 = tpu.vector_load %arg6[%get3A_414, %get3A_415] {strides = array<i32>} : memref<640x64xf32, #tpu.memory_space<vmem>>, vector<1x16xf32>,
        %get3A_417 = vector.shape_cast %get3A_416 : vector<1x16xf32> to vector<16xf32>
        %mul3A_418 = arith.constant 8.000000e+00 : f32
        %mul3A_419 = vector.broadcast %mul3A_418 : f32 to vector<16xf32>
        %mul3A_420 = arith.mulf %get3A_417, %mul3A_419 : vector<16xf32>
        %swap3A_421 = arith.index_cast %scan3A_389 : i32 to index
        %swap3A_422 = arith.constant 32 : index
        %swap3A_423 = tpu.vector_load %arg6[%swap3A_421, %swap3A_422] {strides = array<i32>} : memref<640x64xf32, #tpu.memory_space<vmem>>, vector<1x16xf32>,
        %swap3A_424 = vector.shape_cast %swap3A_423 : vector<1x16xf32> to vector<16xf32>
        %swap3A_425 = vector.shape_cast %mul3A_420 : vector<16xf32> to vector<1x16xf32>
        tpu.vector_store %arg6[%swap3A_421, %swap3A_422], %swap3A_425 {strides = array<i32>} : memref<640x64xf32, #tpu.memory_space<vmem>>, vector<1x16xf32>,
        %get3A_426 = arith.index_cast %scan3A_389 : i32 to index
        %get3A_427 = arith.constant 48 : index
        %get3A_428 = tpu.vector_load %arg6[%get3A_426, %get3A_427] {strides = array<i32>} : memref<640x64xf32, #tpu.memory_space<vmem>>, vector<1x16xf32>,
        %get3A_429 = vector.shape_cast %get3A_428 : vector<1x16xf32> to vector<16xf32>
        %mul3A_430 = arith.constant 8.000000e+00 : f32
        %mul3A_431 = vector.broadcast %mul3A_430 : f32 to vector<16xf32>
        %mul3A_432 = arith.mulf %get3A_429, %mul3A_431 : vector<16xf32>
        %swap3A_433 = arith.index_cast %scan3A_389 : i32 to index
        %swap3A_434 = arith.constant 48 : index
        %swap3A_435 = tpu.vector_load %arg6[%swap3A_433, %swap3A_434] {strides = array<i32>} : memref<640x64xf32, #tpu.memory_space<vmem>>, vector<1x16xf32>,
        %swap3A_436 = vector.shape_cast %swap3A_435 : vector<1x16xf32> to vector<16xf32>
        %swap3A_437 = vector.shape_cast %mul3A_432 : vector<16xf32> to vector<1x16xf32>
        tpu.vector_store %arg6[%swap3A_433, %swap3A_434], %swap3A_437 {strides = array<i32>} : memref<640x64xf32, #tpu.memory_space<vmem>>, vector<1x16xf32>,
        %scan3A_438 = arith.constant 7 : i32
        %scan3A_439 = arith.addi %scan3A_91, %scan3A_438 : i32
        %get3A_440 = arith.index_cast %scan3A_439 : i32 to index
        %get3A_441 = arith.constant 0 : index
        %get3A_442 = tpu.vector_load %arg6[%get3A_440, %get3A_441] {strides = array<i32>} : memref<640x64xf32, #tpu.memory_space<vmem>>, vector<1x16xf32>,
        %get3A_443 = vector.shape_cast %get3A_442 : vector<1x16xf32> to vector<16xf32>
        %mul3A_444 = arith.constant 8.000000e+00 : f32
        %mul3A_445 = vector.broadcast %mul3A_444 : f32 to vector<16xf32>
        %mul3A_446 = arith.mulf %get3A_443, %mul3A_445 : vector<16xf32>
        %swap3A_447 = arith.index_cast %scan3A_439 : i32 to index
        %swap3A_448 = arith.constant 0 : index
        %swap3A_449 = tpu.vector_load %arg6[%swap3A_447, %swap3A_448] {strides = array<i32>} : memref<640x64xf32, #tpu.memory_space<vmem>>, vector<1x16xf32>,
        %swap3A_450 = vector.shape_cast %swap3A_449 : vector<1x16xf32> to vector<16xf32>
        %swap3A_451 = vector.shape_cast %mul3A_446 : vector<16xf32> to vector<1x16xf32>
        tpu.vector_store %arg6[%swap3A_447, %swap3A_448], %swap3A_451 {strides = array<i32>} : memref<640x64xf32, #tpu.memory_space<vmem>>, vector<1x16xf32>,
        %get3A_452 = arith.index_cast %scan3A_439 : i32 to index
        %get3A_453 = arith.constant 16 : index
        %get3A_454 = tpu.vector_load %arg6[%get3A_452, %get3A_453] {strides = array<i32>} : memref<640x64xf32, #tpu.memory_space<vmem>>, vector<1x16xf32>,
        %get3A_455 = vector.shape_cast %get3A_454 : vector<1x16xf32> to vector<16xf32>
        %mul3A_456 = arith.constant 8.000000e+00 : f32
        %mul3A_457 = vector.broadcast %mul3A_456 : f32 to vector<16xf32>
        %mul3A_458 = arith.mulf %get3A_455, %mul3A_457 : vector<16xf32>
        %swap3A_459 = arith.index_cast %scan3A_439 : i32 to index
        %swap3A_460 = arith.constant 16 : index
        %swap3A_461 = tpu.vector_load %arg6[%swap3A_459, %swap3A_460] {strides = array<i32>} : memref<640x64xf32, #tpu.memory_space<vmem>>, vector<1x16xf32>,
        %swap3A_462 = vector.shape_cast %swap3A_461 : vector<1x16xf32> to vector<16xf32>
        %swap3A_463 = vector.shape_cast %mul3A_458 : vector<16xf32> to vector<1x16xf32>
        tpu.vector_store %arg6[%swap3A_459, %swap3A_460], %swap3A_463 {strides = array<i32>} : memref<640x64xf32, #tpu.memory_space<vmem>>, vector<1x16xf32>,
        %get3A_464 = arith.index_cast %scan3A_439 : i32 to index
        %get3A_465 = arith.constant 32 : index
        %get3A_466 = tpu.vector_load %arg6[%get3A_464, %get3A_465] {strides = array<i32>} : memref<640x64xf32, #tpu.memory_space<vmem>>, vector<1x16xf32>,
        %get3A_467 = vector.shape_cast %get3A_466 : vector<1x16xf32> to vector<16xf32>
        %mul3A_468 = arith.constant 8.000000e+00 : f32
        %mul3A_469 = vector.broadcast %mul3A_468 : f32 to vector<16xf32>
        %mul3A_470 = arith.mulf %get3A_467, %mul3A_469 : vector<16xf32>
        %swap3A_471 = arith.index_cast %scan3A_439 : i32 to index
        %swap3A_472 = arith.constant 32 : index
        %swap3A_473 = tpu.vector_load %arg6[%swap3A_471, %swap3A_472] {strides = array<i32>} : memref<640x64xf32, #tpu.memory_space<vmem>>, vector<1x16xf32>,
        %swap3A_474 = vector.shape_cast %swap3A_473 : vector<1x16xf32> to vector<16xf32>
        %swap3A_475 = vector.shape_cast %mul3A_470 : vector<16xf32> to vector<1x16xf32>
        tpu.vector_store %arg6[%swap3A_471, %swap3A_472], %swap3A_475 {strides = array<i32>} : memref<640x64xf32, #tpu.memory_space<vmem>>, vector<1x16xf32>,
        %get3A_476 = arith.index_cast %scan3A_439 : i32 to index
        %get3A_477 = arith.constant 48 : index
        %get3A_478 = tpu.vector_load %arg6[%get3A_476, %get3A_477] {strides = array<i32>} : memref<640x64xf32, #tpu.memory_space<vmem>>, vector<1x16xf32>,
        %get3A_479 = vector.shape_cast %get3A_478 : vector<1x16xf32> to vector<16xf32>
        %mul3A_480 = arith.constant 8.000000e+00 : f32
        %mul3A_481 = vector.broadcast %mul3A_480 : f32 to vector<16xf32>
        %mul3A_482 = arith.mulf %get3A_479, %mul3A_481 : vector<16xf32>
        %swap3A_483 = arith.index_cast %scan3A_439 : i32 to index
        %swap3A_484 = arith.constant 48 : index
        %swap3A_485 = tpu.vector_load %arg6[%swap3A_483, %swap3A_484] {strides = array<i32>} : memref<640x64xf32, #tpu.memory_space<vmem>>, vector<1x16xf32>,
        %swap3A_486 = vector.shape_cast %swap3A_485 : vector<1x16xf32> to vector<16xf32>
        %swap3A_487 = vector.shape_cast %mul3A_482 : vector<16xf32> to vector<1x16xf32>
        tpu.vector_store %arg6[%swap3A_483, %swap3A_484], %swap3A_487 {strides = array<i32>} : memref<640x64xf32, #tpu.memory_space<vmem>>, vector<1x16xf32>,
      }
      %scan3A_46 = arith.constant 640 : i32
      %mul3A_47 = arith.constant 640 : i32
      %mul3A_48 = arith.muli %add3A_23, %mul3A_47 : i32
      %add3A_49 = arith.addi %mul3A_2, %mul3A_48 : i32
      %dma_start3A_50 = arith.constant 0 : i32
      %dma_start3A_51 = tpu.memref_slice %arg4[%add3A_49, %dma_start3A_50] : memref<819200x64xf32, #tpu.memory_space<hbm>> -> memref<640x64xf32, #tpu.memory_space<hbm>>
      %dma_start3A_52 = arith.constant 0 : i32
      %dma_start3A_53 = tpu.memref_slice %arg4[%add3A_49, %dma_start3A_52] : memref<819200x64xf32, #tpu.memory_space<hbm>> -> memref<640x64xf32, #tpu.memory_space<hbm>>
      tpu.enqueue_dma source(%arg6 : memref<640x64xf32, #tpu.memory_space<vmem>>) target(%dma_start3A_53 : memref<640x64xf32, #tpu.memory_space<hbm>>) target_semaphore(%arg10 : memref<!tpu.dma_semaphore, #tpu.memory_space<semaphore_mem>>)
      %add3A_54 = arith.constant 1 : i32
      %add3A_55 = arith.addi %mul3A_21, %add3A_54 : i32
      %ge3A_56 = arith.constant 1 : i32
      %ge3A_57 = arith.cmpi sge, %add3A_55, %ge3A_56 : i32
      %add3A_58 = arith.constant 1 : i32
      %add3A_59 = arith.addi %add3A_55, %add3A_58 : i32
      %lt3A_60 = arith.constant 40 : i32
      %lt3A_61 = arith.cmpi slt, %add3A_59, %lt3A_60 : i32
      %and3A_62 = arith.andi %ge3A_57, %lt3A_61 : i1
      %convert_element_type3A_63 = arith.extui %and3A_62 : i1 to i32
      %cond3A_64 = arith.constant 0 : i32
      %cond3A_65 = arith.cmpi ne, %convert_element_type3A_63, %cond3A_64 : i32
      scf.if %cond3A_65 {
        %dma_wait3A_91 = arith.constant 0 : i32
        %dma_wait3A_92 = tpu.memref_slice %arg4[%mul3A_2, %dma_wait3A_91] : memref<819200x64xf32, #tpu.memory_space<hbm>> -> memref<640x64xf32, #tpu.memory_space<hbm>>
        %dma_wait3A_93 = arith.constant 0 : i32
        %dma_wait3A_94 = tpu.memref_slice %arg4[%mul3A_2, %dma_wait3A_93] : memref<819200x64xf32, #tpu.memory_space<hbm>> -> memref<640x64xf32, #tpu.memory_space<hbm>>
        tpu.wait_dma2 semaphore(%arg10 : memref<!tpu.dma_semaphore, #tpu.memory_space<semaphore_mem>>) src(%arg6 : memref<640x64xf32, #tpu.memory_space<vmem>>) dst(%dma_wait3A_94 : memref<640x64xf32, #tpu.memory_space<hbm>>)
      } else {
      }
      %add3A_66 = arith.constant 1 : i32
      %add3A_67 = arith.addi %add3A_55, %add3A_66 : i32
      %lt3A_68 = arith.constant 40 : i32
      %lt3A_69 = arith.cmpi slt, %add3A_67, %lt3A_68 : i32
      %convert_element_type3A_70 = arith.extui %lt3A_69 : i1 to i32
      %cond3A_71 = arith.constant 0 : i32
      %cond3A_72 = arith.cmpi ne, %convert_element_type3A_70, %cond3A_71 : i32
      scf.if %cond3A_72 {
        %add3A_91 = arith.constant 1 : i32
        %add3A_92 = arith.addi %add3A_55, %add3A_91 : i32
        %mul3A_93 = arith.constant 640 : i32
        %mul3A_94 = arith.muli %add3A_92, %mul3A_93 : i32
        %dma_start3A_95 = tpu.memref_slice %arg5[%mul3A_94] : memref<25600xi32, #tpu.memory_space<vmem>> -> memref<640xi32, #tpu.memory_space<vmem>>
        %dma_start3A_96 = arith.constant 0 : i32
        %dma_start3A_97 = arith.constant 0 : i32
        %dma_start3A_98 = tpu.memref_slice %arg3[%dma_start3A_96, %dma_start3A_97] : memref<1000000x64xf32, #tpu.memory_space<hbm>> -> memref<1000000x64xf32, #tpu.memory_space<hbm>>
        tpu.enqueue_indirect_dma source(%dma_start3A_98 : memref<1000000x64xf32, #tpu.memory_space<hbm>>) target(%arg6 : memref<640x64xf32, #tpu.memory_space<vmem>>) offsets(%dma_start3A_95 : memref<640xi32, #tpu.memory_space<vmem>>) semaphore(%arg8 : memref<!tpu.dma_semaphore, #tpu.memory_space<semaphore_mem>>)
      } else {
      }
      %dma_wait3A_73 = arith.constant 0 : i32
      %dma_wait3A_74 = tpu.memref_slice %arg5[%dma_wait3A_73] : memref<25600xi32, #tpu.memory_space<vmem>> -> memref<640xi32, #tpu.memory_space<vmem>>
      %dma_wait3A_75 = arith.constant 0 : i32
      %dma_wait3A_76 = arith.constant 0 : i32
      %dma_wait3A_77 = tpu.memref_slice %arg3[%dma_wait3A_75, %dma_wait3A_76] : memref<1000000x64xf32, #tpu.memory_space<hbm>> -> memref<1000000x64xf32, #tpu.memory_space<hbm>>
      tpu.wait_indirect_dma semaphore(%arg9 : memref<!tpu.dma_semaphore, #tpu.memory_space<semaphore_mem>>) src(%dma_wait3A_77 : memref<1000000x64xf32, #tpu.memory_space<hbm>>) dst(%arg7 : memref<640x64xf32, #tpu.memory_space<vmem>>)
      %scan3A_78 = arith.constant 0 : i32
      %scan3A_79 = arith.constant 0 : i32
      %scan3A_80 = arith.constant 640 : i32
      %scan3A_81 = arith.addi %scan3A_79, %scan3A_80 : i32
      %scan3A_82 = arith.constant 8 : i32
      scf.for %scan3A_91 = %scan3A_79 to %scan3A_81 step %scan3A_82  : i32 {
        %get3A = arith.index_cast %scan3A_91 : i32 to index
        %get3A_92 = arith.constant 0 : index
        %get3A_93 = tpu.vector_load %arg7[%get3A, %get3A_92] {strides = array<i32>} : memref<640x64xf32, #tpu.memory_space<vmem>>, vector<1x16xf32>,
        %get3A_94 = vector.shape_cast %get3A_93 : vector<1x16xf32> to vector<16xf32>
        %mul3A_95 = arith.constant 8.000000e+00 : f32
        %mul3A_96 = vector.broadcast %mul3A_95 : f32 to vector<16xf32>
        %mul3A_97 = arith.mulf %get3A_94, %mul3A_96 : vector<16xf32>
        %swap3A = arith.index_cast %scan3A_91 : i32 to index
        %swap3A_98 = arith.constant 0 : index
        %swap3A_99 = tpu.vector_load %arg7[%swap3A, %swap3A_98] {strides = array<i32>} : memref<640x64xf32, #tpu.memory_space<vmem>>, vector<1x16xf32>,
        %swap3A_100 = vector.shape_cast %swap3A_99 : vector<1x16xf32> to vector<16xf32>
        %swap3A_101 = vector.shape_cast %mul3A_97 : vector<16xf32> to vector<1x16xf32>
        tpu.vector_store %arg7[%swap3A, %swap3A_98], %swap3A_101 {strides = array<i32>} : memref<640x64xf32, #tpu.memory_space<vmem>>, vector<1x16xf32>,
        %get3A_102 = arith.index_cast %scan3A_91 : i32 to index
        %get3A_103 = arith.constant 16 : index
        %get3A_104 = tpu.vector_load %arg7[%get3A_102, %get3A_103] {strides = array<i32>} : memref<640x64xf32, #tpu.memory_space<vmem>>, vector<1x16xf32>,
        %get3A_105 = vector.shape_cast %get3A_104 : vector<1x16xf32> to vector<16xf32>
        %mul3A_106 = arith.constant 8.000000e+00 : f32
        %mul3A_107 = vector.broadcast %mul3A_106 : f32 to vector<16xf32>
        %mul3A_108 = arith.mulf %get3A_105, %mul3A_107 : vector<16xf32>
        %swap3A_109 = arith.index_cast %scan3A_91 : i32 to index
        %swap3A_110 = arith.constant 16 : index
        %swap3A_111 = tpu.vector_load %arg7[%swap3A_109, %swap3A_110] {strides = array<i32>} : memref<640x64xf32, #tpu.memory_space<vmem>>, vector<1x16xf32>,
        %swap3A_112 = vector.shape_cast %swap3A_111 : vector<1x16xf32> to vector<16xf32>
        %swap3A_113 = vector.shape_cast %mul3A_108 : vector<16xf32> to vector<1x16xf32>
        tpu.vector_store %arg7[%swap3A_109, %swap3A_110], %swap3A_113 {strides = array<i32>} : memref<640x64xf32, #tpu.memory_space<vmem>>, vector<1x16xf32>,
        %get3A_114 = arith.index_cast %scan3A_91 : i32 to index
        %get3A_115 = arith.constant 32 : index
        %get3A_116 = tpu.vector_load %arg7[%get3A_114, %get3A_115] {strides = array<i32>} : memref<640x64xf32, #tpu.memory_space<vmem>>, vector<1x16xf32>,
        %get3A_117 = vector.shape_cast %get3A_116 : vector<1x16xf32> to vector<16xf32>
        %mul3A_118 = arith.constant 8.000000e+00 : f32
        %mul3A_119 = vector.broadcast %mul3A_118 : f32 to vector<16xf32>
        %mul3A_120 = arith.mulf %get3A_117, %mul3A_119 : vector<16xf32>
        %swap3A_121 = arith.index_cast %scan3A_91 : i32 to index
        %swap3A_122 = arith.constant 32 : index
        %swap3A_123 = tpu.vector_load %arg7[%swap3A_121, %swap3A_122] {strides = array<i32>} : memref<640x64xf32, #tpu.memory_space<vmem>>, vector<1x16xf32>,
        %swap3A_124 = vector.shape_cast %swap3A_123 : vector<1x16xf32> to vector<16xf32>
        %swap3A_125 = vector.shape_cast %mul3A_120 : vector<16xf32> to vector<1x16xf32>
        tpu.vector_store %arg7[%swap3A_121, %swap3A_122], %swap3A_125 {strides = array<i32>} : memref<640x64xf32, #tpu.memory_space<vmem>>, vector<1x16xf32>,
        %get3A_126 = arith.index_cast %scan3A_91 : i32 to index
        %get3A_127 = arith.constant 48 : index
        %get3A_128 = tpu.vector_load %arg7[%get3A_126, %get3A_127] {strides = array<i32>} : memref<640x64xf32, #tpu.memory_space<vmem>>, vector<1x16xf32>,
        %get3A_129 = vector.shape_cast %get3A_128 : vector<1x16xf32> to vector<16xf32>
        %mul3A_130 = arith.constant 8.000000e+00 : f32
        %mul3A_131 = vector.broadcast %mul3A_130 : f32 to vector<16xf32>
        %mul3A_132 = arith.mulf %get3A_129, %mul3A_131 : vector<16xf32>
        %swap3A_133 = arith.index_cast %scan3A_91 : i32 to index
        %swap3A_134 = arith.constant 48 : index
        %swap3A_135 = tpu.vector_load %arg7[%swap3A_133, %swap3A_134] {strides = array<i32>} : memref<640x64xf32, #tpu.memory_space<vmem>>, vector<1x16xf32>,
        %swap3A_136 = vector.shape_cast %swap3A_135 : vector<1x16xf32> to vector<16xf32>
        %swap3A_137 = vector.shape_cast %mul3A_132 : vector<16xf32> to vector<1x16xf32>
        tpu.vector_store %arg7[%swap3A_133, %swap3A_134], %swap3A_137 {strides = array<i32>} : memref<640x64xf32, #tpu.memory_space<vmem>>, vector<1x16xf32>,
        %scan3A_138 = arith.constant 1 : i32
        %scan3A_139 = arith.addi %scan3A_91, %scan3A_138 : i32
        %get3A_140 = arith.index_cast %scan3A_139 : i32 to index
        %get3A_141 = arith.constant 0 : index
        %get3A_142 = tpu.vector_load %arg7[%get3A_140, %get3A_141] {strides = array<i32>} : memref<640x64xf32, #tpu.memory_space<vmem>>, vector<1x16xf32>,
        %get3A_143 = vector.shape_cast %get3A_142 : vector<1x16xf32> to vector<16xf32>
        %mul3A_144 = arith.constant 8.000000e+00 : f32
        %mul3A_145 = vector.broadcast %mul3A_144 : f32 to vector<16xf32>
        %mul3A_146 = arith.mulf %get3A_143, %mul3A_145 : vector<16xf32>
        %swap3A_147 = arith.index_cast %scan3A_139 : i32 to index
        %swap3A_148 = arith.constant 0 : index
        %swap3A_149 = tpu.vector_load %arg7[%swap3A_147, %swap3A_148] {strides = array<i32>} : memref<640x64xf32, #tpu.memory_space<vmem>>, vector<1x16xf32>,
        %swap3A_150 = vector.shape_cast %swap3A_149 : vector<1x16xf32> to vector<16xf32>
        %swap3A_151 = vector.shape_cast %mul3A_146 : vector<16xf32> to vector<1x16xf32>
        tpu.vector_store %arg7[%swap3A_147, %swap3A_148], %swap3A_151 {strides = array<i32>} : memref<640x64xf32, #tpu.memory_space<vmem>>, vector<1x16xf32>,
        %get3A_152 = arith.index_cast %scan3A_139 : i32 to index
        %get3A_153 = arith.constant 16 : index
        %get3A_154 = tpu.vector_load %arg7[%get3A_152, %get3A_153] {strides = array<i32>} : memref<640x64xf32, #tpu.memory_space<vmem>>, vector<1x16xf32>,
        %get3A_155 = vector.shape_cast %get3A_154 : vector<1x16xf32> to vector<16xf32>
        %mul3A_156 = arith.constant 8.000000e+00 : f32
        %mul3A_157 = vector.broadcast %mul3A_156 : f32 to vector<16xf32>
        %mul3A_158 = arith.mulf %get3A_155, %mul3A_157 : vector<16xf32>
        %swap3A_159 = arith.index_cast %scan3A_139 : i32 to index
        %swap3A_160 = arith.constant 16 : index
        %swap3A_161 = tpu.vector_load %arg7[%swap3A_159, %swap3A_160] {strides = array<i32>} : memref<640x64xf32, #tpu.memory_space<vmem>>, vector<1x16xf32>,
        %swap3A_162 = vector.shape_cast %swap3A_161 : vector<1x16xf32> to vector<16xf32>
        %swap3A_163 = vector.shape_cast %mul3A_158 : vector<16xf32> to vector<1x16xf32>
        tpu.vector_store %arg7[%swap3A_159, %swap3A_160], %swap3A_163 {strides = array<i32>} : memref<640x64xf32, #tpu.memory_space<vmem>>, vector<1x16xf32>,
        %get3A_164 = arith.index_cast %scan3A_139 : i32 to index
        %get3A_165 = arith.constant 32 : index
        %get3A_166 = tpu.vector_load %arg7[%get3A_164, %get3A_165] {strides = array<i32>} : memref<640x64xf32, #tpu.memory_space<vmem>>, vector<1x16xf32>,
        %get3A_167 = vector.shape_cast %get3A_166 : vector<1x16xf32> to vector<16xf32>
        %mul3A_168 = arith.constant 8.000000e+00 : f32
        %mul3A_169 = vector.broadcast %mul3A_168 : f32 to vector<16xf32>
        %mul3A_170 = arith.mulf %get3A_167, %mul3A_169 : vector<16xf32>
        %swap3A_171 = arith.index_cast %scan3A_139 : i32 to index
        %swap3A_172 = arith.constant 32 : index
        %swap3A_173 = tpu.vector_load %arg7[%swap3A_171, %swap3A_172] {strides = array<i32>} : memref<640x64xf32, #tpu.memory_space<vmem>>, vector<1x16xf32>,
        %swap3A_174 = vector.shape_cast %swap3A_173 : vector<1x16xf32> to vector<16xf32>
        %swap3A_175 = vector.shape_cast %mul3A_170 : vector<16xf32> to vector<1x16xf32>
        tpu.vector_store %arg7[%swap3A_171, %swap3A_172], %swap3A_175 {strides = array<i32>} : memref<640x64xf32, #tpu.memory_space<vmem>>, vector<1x16xf32>,
        %get3A_176 = arith.index_cast %scan3A_139 : i32 to index
        %get3A_177 = arith.constant 48 : index
        %get3A_178 = tpu.vector_load %arg7[%get3A_176, %get3A_177] {strides = array<i32>} : memref<640x64xf32, #tpu.memory_space<vmem>>, vector<1x16xf32>,
        %get3A_179 = vector.shape_cast %get3A_178 : vector<1x16xf32> to vector<16xf32>
        %mul3A_180 = arith.constant 8.000000e+00 : f32
        %mul3A_181 = vector.broadcast %mul3A_180 : f32 to vector<16xf32>
        %mul3A_182 = arith.mulf %get3A_179, %mul3A_181 : vector<16xf32>
        %swap3A_183 = arith.index_cast %scan3A_139 : i32 to index
        %swap3A_184 = arith.constant 48 : index
        %swap3A_185 = tpu.vector_load %arg7[%swap3A_183, %swap3A_184] {strides = array<i32>} : memref<640x64xf32, #tpu.memory_space<vmem>>, vector<1x16xf32>,
        %swap3A_186 = vector.shape_cast %swap3A_185 : vector<1x16xf32> to vector<16xf32>
        %swap3A_187 = vector.shape_cast %mul3A_182 : vector<16xf32> to vector<1x16xf32>
        tpu.vector_store %arg7[%swap3A_183, %swap3A_184], %swap3A_187 {strides = array<i32>} : memref<640x64xf32, #tpu.memory_space<vmem>>, vector<1x16xf32>,
        %scan3A_188 = arith.constant 2 : i32
        %scan3A_189 = arith.addi %scan3A_91, %scan3A_188 : i32
        %get3A_190 = arith.index_cast %scan3A_189 : i32 to index
        %get3A_191 = arith.constant 0 : index
        %get3A_192 = tpu.vector_load %arg7[%get3A_190, %get3A_191] {strides = array<i32>} : memref<640x64xf32, #tpu.memory_space<vmem>>, vector<1x16xf32>,
        %get3A_193 = vector.shape_cast %get3A_192 : vector<1x16xf32> to vector<16xf32>
        %mul3A_194 = arith.constant 8.000000e+00 : f32
        %mul3A_195 = vector.broadcast %mul3A_194 : f32 to vector<16xf32>
        %mul3A_196 = arith.mulf %get3A_193, %mul3A_195 : vector<16xf32>
        %swap3A_197 = arith.index_cast %scan3A_189 : i32 to index
        %swap3A_198 = arith.constant 0 : index
        %swap3A_199 = tpu.vector_load %arg7[%swap3A_197, %swap3A_198] {strides = array<i32>} : memref<640x64xf32, #tpu.memory_space<vmem>>, vector<1x16xf32>,
        %swap3A_200 = vector.shape_cast %swap3A_199 : vector<1x16xf32> to vector<16xf32>
        %swap3A_201 = vector.shape_cast %mul3A_196 : vector<16xf32> to vector<1x16xf32>
        tpu.vector_store %arg7[%swap3A_197, %swap3A_198], %swap3A_201 {strides = array<i32>} : memref<640x64xf32, #tpu.memory_space<vmem>>, vector<1x16xf32>,
        %get3A_202 = arith.index_cast %scan3A_189 : i32 to index
        %get3A_203 = arith.constant 16 : index
        %get3A_204 = tpu.vector_load %arg7[%get3A_202, %get3A_203] {strides = array<i32>} : memref<640x64xf32, #tpu.memory_space<vmem>>, vector<1x16xf32>,
        %get3A_205 = vector.shape_cast %get3A_204 : vector<1x16xf32> to vector<16xf32>
        %mul3A_206 = arith.constant 8.000000e+00 : f32
        %mul3A_207 = vector.broadcast %mul3A_206 : f32 to vector<16xf32>
        %mul3A_208 = arith.mulf %get3A_205, %mul3A_207 : vector<16xf32>
        %swap3A_209 = arith.index_cast %scan3A_189 : i32 to index
        %swap3A_210 = arith.constant 16 : index
        %swap3A_211 = tpu.vector_load %arg7[%swap3A_209, %swap3A_210] {strides = array<i32>} : memref<640x64xf32, #tpu.memory_space<vmem>>, vector<1x16xf32>,
        %swap3A_212 = vector.shape_cast %swap3A_211 : vector<1x16xf32> to vector<16xf32>
        %swap3A_213 = vector.shape_cast %mul3A_208 : vector<16xf32> to vector<1x16xf32>
        tpu.vector_store %arg7[%swap3A_209, %swap3A_210], %swap3A_213 {strides = array<i32>} : memref<640x64xf32, #tpu.memory_space<vmem>>, vector<1x16xf32>,
        %get3A_214 = arith.index_cast %scan3A_189 : i32 to index
        %get3A_215 = arith.constant 32 : index
        %get3A_216 = tpu.vector_load %arg7[%get3A_214, %get3A_215] {strides = array<i32>} : memref<640x64xf32, #tpu.memory_space<vmem>>, vector<1x16xf32>,
        %get3A_217 = vector.shape_cast %get3A_216 : vector<1x16xf32> to vector<16xf32>
        %mul3A_218 = arith.constant 8.000000e+00 : f32
        %mul3A_219 = vector.broadcast %mul3A_218 : f32 to vector<16xf32>
        %mul3A_220 = arith.mulf %get3A_217, %mul3A_219 : vector<16xf32>
        %swap3A_221 = arith.index_cast %scan3A_189 : i32 to index
        %swap3A_222 = arith.constant 32 : index
        %swap3A_223 = tpu.vector_load %arg7[%swap3A_221, %swap3A_222] {strides = array<i32>} : memref<640x64xf32, #tpu.memory_space<vmem>>, vector<1x16xf32>,
        %swap3A_224 = vector.shape_cast %swap3A_223 : vector<1x16xf32> to vector<16xf32>
        %swap3A_225 = vector.shape_cast %mul3A_220 : vector<16xf32> to vector<1x16xf32>
        tpu.vector_store %arg7[%swap3A_221, %swap3A_222], %swap3A_225 {strides = array<i32>} : memref<640x64xf32, #tpu.memory_space<vmem>>, vector<1x16xf32>,
        %get3A_226 = arith.index_cast %scan3A_189 : i32 to index
        %get3A_227 = arith.constant 48 : index
        %get3A_228 = tpu.vector_load %arg7[%get3A_226, %get3A_227] {strides = array<i32>} : memref<640x64xf32, #tpu.memory_space<vmem>>, vector<1x16xf32>,
        %get3A_229 = vector.shape_cast %get3A_228 : vector<1x16xf32> to vector<16xf32>
        %mul3A_230 = arith.constant 8.000000e+00 : f32
        %mul3A_231 = vector.broadcast %mul3A_230 : f32 to vector<16xf32>
        %mul3A_232 = arith.mulf %get3A_229, %mul3A_231 : vector<16xf32>
        %swap3A_233 = arith.index_cast %scan3A_189 : i32 to index
        %swap3A_234 = arith.constant 48 : index
        %swap3A_235 = tpu.vector_load %arg7[%swap3A_233, %swap3A_234] {strides = array<i32>} : memref<640x64xf32, #tpu.memory_space<vmem>>, vector<1x16xf32>,
        %swap3A_236 = vector.shape_cast %swap3A_235 : vector<1x16xf32> to vector<16xf32>
        %swap3A_237 = vector.shape_cast %mul3A_232 : vector<16xf32> to vector<1x16xf32>
        tpu.vector_store %arg7[%swap3A_233, %swap3A_234], %swap3A_237 {strides = array<i32>} : memref<640x64xf32, #tpu.memory_space<vmem>>, vector<1x16xf32>,
        %scan3A_238 = arith.constant 3 : i32
        %scan3A_239 = arith.addi %scan3A_91, %scan3A_238 : i32
        %get3A_240 = arith.index_cast %scan3A_239 : i32 to index
        %get3A_241 = arith.constant 0 : index
        %get3A_242 = tpu.vector_load %arg7[%get3A_240, %get3A_241] {strides = array<i32>} : memref<640x64xf32, #tpu.memory_space<vmem>>, vector<1x16xf32>,
        %get3A_243 = vector.shape_cast %get3A_242 : vector<1x16xf32> to vector<16xf32>
        %mul3A_244 = arith.constant 8.000000e+00 : f32
        %mul3A_245 = vector.broadcast %mul3A_244 : f32 to vector<16xf32>
        %mul3A_246 = arith.mulf %get3A_243, %mul3A_245 : vector<16xf32>
        %swap3A_247 = arith.index_cast %scan3A_239 : i32 to index
        %swap3A_248 = arith.constant 0 : index
        %swap3A_249 = tpu.vector_load %arg7[%swap3A_247, %swap3A_248] {strides = array<i32>} : memref<640x64xf32, #tpu.memory_space<vmem>>, vector<1x16xf32>,
        %swap3A_250 = vector.shape_cast %swap3A_249 : vector<1x16xf32> to vector<16xf32>
        %swap3A_251 = vector.shape_cast %mul3A_246 : vector<16xf32> to vector<1x16xf32>
        tpu.vector_store %arg7[%swap3A_247, %swap3A_248], %swap3A_251 {strides = array<i32>} : memref<640x64xf32, #tpu.memory_space<vmem>>, vector<1x16xf32>,
        %get3A_252 = arith.index_cast %scan3A_239 : i32 to index
        %get3A_253 = arith.constant 16 : index
        %get3A_254 = tpu.vector_load %arg7[%get3A_252, %get3A_253] {strides = array<i32>} : memref<640x64xf32, #tpu.memory_space<vmem>>, vector<1x16xf32>,
        %get3A_255 = vector.shape_cast %get3A_254 : vector<1x16xf32> to vector<16xf32>
        %mul3A_256 = arith.constant 8.000000e+00 : f32
        %mul3A_257 = vector.broadcast %mul3A_256 : f32 to vector<16xf32>
        %mul3A_258 = arith.mulf %get3A_255, %mul3A_257 : vector<16xf32>
        %swap3A_259 = arith.index_cast %scan3A_239 : i32 to index
        %swap3A_260 = arith.constant 16 : index
        %swap3A_261 = tpu.vector_load %arg7[%swap3A_259, %swap3A_260] {strides = array<i32>} : memref<640x64xf32, #tpu.memory_space<vmem>>, vector<1x16xf32>,
        %swap3A_262 = vector.shape_cast %swap3A_261 : vector<1x16xf32> to vector<16xf32>
        %swap3A_263 = vector.shape_cast %mul3A_258 : vector<16xf32> to vector<1x16xf32>
        tpu.vector_store %arg7[%swap3A_259, %swap3A_260], %swap3A_263 {strides = array<i32>} : memref<640x64xf32, #tpu.memory_space<vmem>>, vector<1x16xf32>,
        %get3A_264 = arith.index_cast %scan3A_239 : i32 to index
        %get3A_265 = arith.constant 32 : index
        %get3A_266 = tpu.vector_load %arg7[%get3A_264, %get3A_265] {strides = array<i32>} : memref<640x64xf32, #tpu.memory_space<vmem>>, vector<1x16xf32>,
        %get3A_267 = vector.shape_cast %get3A_266 : vector<1x16xf32> to vector<16xf32>
        %mul3A_268 = arith.constant 8.000000e+00 : f32
        %mul3A_269 = vector.broadcast %mul3A_268 : f32 to vector<16xf32>
        %mul3A_270 = arith.mulf %get3A_267, %mul3A_269 : vector<16xf32>
        %swap3A_271 = arith.index_cast %scan3A_239 : i32 to index
        %swap3A_272 = arith.constant 32 : index
        %swap3A_273 = tpu.vector_load %arg7[%swap3A_271, %swap3A_272] {strides = array<i32>} : memref<640x64xf32, #tpu.memory_space<vmem>>, vector<1x16xf32>,
        %swap3A_274 = vector.shape_cast %swap3A_273 : vector<1x16xf32> to vector<16xf32>
        %swap3A_275 = vector.shape_cast %mul3A_270 : vector<16xf32> to vector<1x16xf32>
        tpu.vector_store %arg7[%swap3A_271, %swap3A_272], %swap3A_275 {strides = array<i32>} : memref<640x64xf32, #tpu.memory_space<vmem>>, vector<1x16xf32>,
        %get3A_276 = arith.index_cast %scan3A_239 : i32 to index
        %get3A_277 = arith.constant 48 : index
        %get3A_278 = tpu.vector_load %arg7[%get3A_276, %get3A_277] {strides = array<i32>} : memref<640x64xf32, #tpu.memory_space<vmem>>, vector<1x16xf32>,
        %get3A_279 = vector.shape_cast %get3A_278 : vector<1x16xf32> to vector<16xf32>
        %mul3A_280 = arith.constant 8.000000e+00 : f32
        %mul3A_281 = vector.broadcast %mul3A_280 : f32 to vector<16xf32>
        %mul3A_282 = arith.mulf %get3A_279, %mul3A_281 : vector<16xf32>
        %swap3A_283 = arith.index_cast %scan3A_239 : i32 to index
        %swap3A_284 = arith.constant 48 : index
        %swap3A_285 = tpu.vector_load %arg7[%swap3A_283, %swap3A_284] {strides = array<i32>} : memref<640x64xf32, #tpu.memory_space<vmem>>, vector<1x16xf32>,
        %swap3A_286 = vector.shape_cast %swap3A_285 : vector<1x16xf32> to vector<16xf32>
        %swap3A_287 = vector.shape_cast %mul3A_282 : vector<16xf32> to vector<1x16xf32>
        tpu.vector_store %arg7[%swap3A_283, %swap3A_284], %swap3A_287 {strides = array<i32>} : memref<640x64xf32, #tpu.memory_space<vmem>>, vector<1x16xf32>,
        %scan3A_288 = arith.constant 4 : i32
        %scan3A_289 = arith.addi %scan3A_91, %scan3A_288 : i32
        %get3A_290 = arith.index_cast %scan3A_289 : i32 to index
        %get3A_291 = arith.constant 0 : index
        %get3A_292 = tpu.vector_load %arg7[%get3A_290, %get3A_291] {strides = array<i32>} : memref<640x64xf32, #tpu.memory_space<vmem>>, vector<1x16xf32>,
        %get3A_293 = vector.shape_cast %get3A_292 : vector<1x16xf32> to vector<16xf32>
        %mul3A_294 = arith.constant 8.000000e+00 : f32
        %mul3A_295 = vector.broadcast %mul3A_294 : f32 to vector<16xf32>
        %mul3A_296 = arith.mulf %get3A_293, %mul3A_295 : vector<16xf32>
        %swap3A_297 = arith.index_cast %scan3A_289 : i32 to index
        %swap3A_298 = arith.constant 0 : index
        %swap3A_299 = tpu.vector_load %arg7[%swap3A_297, %swap3A_298] {strides = array<i32>} : memref<640x64xf32, #tpu.memory_space<vmem>>, vector<1x16xf32>,
        %swap3A_300 = vector.shape_cast %swap3A_299 : vector<1x16xf32> to vector<16xf32>
        %swap3A_301 = vector.shape_cast %mul3A_296 : vector<16xf32> to vector<1x16xf32>
        tpu.vector_store %arg7[%swap3A_297, %swap3A_298], %swap3A_301 {strides = array<i32>} : memref<640x64xf32, #tpu.memory_space<vmem>>, vector<1x16xf32>,
        %get3A_302 = arith.index_cast %scan3A_289 : i32 to index
        %get3A_303 = arith.constant 16 : index
        %get3A_304 = tpu.vector_load %arg7[%get3A_302, %get3A_303] {strides = array<i32>} : memref<640x64xf32, #tpu.memory_space<vmem>>, vector<1x16xf32>,
        %get3A_305 = vector.shape_cast %get3A_304 : vector<1x16xf32> to vector<16xf32>
        %mul3A_306 = arith.constant 8.000000e+00 : f32
        %mul3A_307 = vector.broadcast %mul3A_306 : f32 to vector<16xf32>
        %mul3A_308 = arith.mulf %get3A_305, %mul3A_307 : vector<16xf32>
        %swap3A_309 = arith.index_cast %scan3A_289 : i32 to index
        %swap3A_310 = arith.constant 16 : index
        %swap3A_311 = tpu.vector_load %arg7[%swap3A_309, %swap3A_310] {strides = array<i32>} : memref<640x64xf32, #tpu.memory_space<vmem>>, vector<1x16xf32>,
        %swap3A_312 = vector.shape_cast %swap3A_311 : vector<1x16xf32> to vector<16xf32>
        %swap3A_313 = vector.shape_cast %mul3A_308 : vector<16xf32> to vector<1x16xf32>
        tpu.vector_store %arg7[%swap3A_309, %swap3A_310], %swap3A_313 {strides = array<i32>} : memref<640x64xf32, #tpu.memory_space<vmem>>, vector<1x16xf32>,
        %get3A_314 = arith.index_cast %scan3A_289 : i32 to index
        %get3A_315 = arith.constant 32 : index
        %get3A_316 = tpu.vector_load %arg7[%get3A_314, %get3A_315] {strides = array<i32>} : memref<640x64xf32, #tpu.memory_space<vmem>>, vector<1x16xf32>,
        %get3A_317 = vector.shape_cast %get3A_316 : vector<1x16xf32> to vector<16xf32>
        %mul3A_318 = arith.constant 8.000000e+00 : f32
        %mul3A_319 = vector.broadcast %mul3A_318 : f32 to vector<16xf32>
        %mul3A_320 = arith.mulf %get3A_317, %mul3A_319 : vector<16xf32>
        %swap3A_321 = arith.index_cast %scan3A_289 : i32 to index
        %swap3A_322 = arith.constant 32 : index
        %swap3A_323 = tpu.vector_load %arg7[%swap3A_321, %swap3A_322] {strides = array<i32>} : memref<640x64xf32, #tpu.memory_space<vmem>>, vector<1x16xf32>,
        %swap3A_324 = vector.shape_cast %swap3A_323 : vector<1x16xf32> to vector<16xf32>
        %swap3A_325 = vector.shape_cast %mul3A_320 : vector<16xf32> to vector<1x16xf32>
        tpu.vector_store %arg7[%swap3A_321, %swap3A_322], %swap3A_325 {strides = array<i32>} : memref<640x64xf32, #tpu.memory_space<vmem>>, vector<1x16xf32>,
        %get3A_326 = arith.index_cast %scan3A_289 : i32 to index
        %get3A_327 = arith.constant 48 : index
        %get3A_328 = tpu.vector_load %arg7[%get3A_326, %get3A_327] {strides = array<i32>} : memref<640x64xf32, #tpu.memory_space<vmem>>, vector<1x16xf32>,
        %get3A_329 = vector.shape_cast %get3A_328 : vector<1x16xf32> to vector<16xf32>
        %mul3A_330 = arith.constant 8.000000e+00 : f32
        %mul3A_331 = vector.broadcast %mul3A_330 : f32 to vector<16xf32>
        %mul3A_332 = arith.mulf %get3A_329, %mul3A_331 : vector<16xf32>
        %swap3A_333 = arith.index_cast %scan3A_289 : i32 to index
        %swap3A_334 = arith.constant 48 : index
        %swap3A_335 = tpu.vector_load %arg7[%swap3A_333, %swap3A_334] {strides = array<i32>} : memref<640x64xf32, #tpu.memory_space<vmem>>, vector<1x16xf32>,
        %swap3A_336 = vector.shape_cast %swap3A_335 : vector<1x16xf32> to vector<16xf32>
        %swap3A_337 = vector.shape_cast %mul3A_332 : vector<16xf32> to vector<1x16xf32>
        tpu.vector_store %arg7[%swap3A_333, %swap3A_334], %swap3A_337 {strides = array<i32>} : memref<640x64xf32, #tpu.memory_space<vmem>>, vector<1x16xf32>,
        %scan3A_338 = arith.constant 5 : i32
        %scan3A_339 = arith.addi %scan3A_91, %scan3A_338 : i32
        %get3A_340 = arith.index_cast %scan3A_339 : i32 to index
        %get3A_341 = arith.constant 0 : index
        %get3A_342 = tpu.vector_load %arg7[%get3A_340, %get3A_341] {strides = array<i32>} : memref<640x64xf32, #tpu.memory_space<vmem>>, vector<1x16xf32>,
        %get3A_343 = vector.shape_cast %get3A_342 : vector<1x16xf32> to vector<16xf32>
        %mul3A_344 = arith.constant 8.000000e+00 : f32
        %mul3A_345 = vector.broadcast %mul3A_344 : f32 to vector<16xf32>
        %mul3A_346 = arith.mulf %get3A_343, %mul3A_345 : vector<16xf32>
        %swap3A_347 = arith.index_cast %scan3A_339 : i32 to index
        %swap3A_348 = arith.constant 0 : index
        %swap3A_349 = tpu.vector_load %arg7[%swap3A_347, %swap3A_348] {strides = array<i32>} : memref<640x64xf32, #tpu.memory_space<vmem>>, vector<1x16xf32>,
        %swap3A_350 = vector.shape_cast %swap3A_349 : vector<1x16xf32> to vector<16xf32>
        %swap3A_351 = vector.shape_cast %mul3A_346 : vector<16xf32> to vector<1x16xf32>
        tpu.vector_store %arg7[%swap3A_347, %swap3A_348], %swap3A_351 {strides = array<i32>} : memref<640x64xf32, #tpu.memory_space<vmem>>, vector<1x16xf32>,
        %get3A_352 = arith.index_cast %scan3A_339 : i32 to index
        %get3A_353 = arith.constant 16 : index
        %get3A_354 = tpu.vector_load %arg7[%get3A_352, %get3A_353] {strides = array<i32>} : memref<640x64xf32, #tpu.memory_space<vmem>>, vector<1x16xf32>,
        %get3A_355 = vector.shape_cast %get3A_354 : vector<1x16xf32> to vector<16xf32>
        %mul3A_356 = arith.constant 8.000000e+00 : f32
        %mul3A_357 = vector.broadcast %mul3A_356 : f32 to vector<16xf32>
        %mul3A_358 = arith.mulf %get3A_355, %mul3A_357 : vector<16xf32>
        %swap3A_359 = arith.index_cast %scan3A_339 : i32 to index
        %swap3A_360 = arith.constant 16 : index
        %swap3A_361 = tpu.vector_load %arg7[%swap3A_359, %swap3A_360] {strides = array<i32>} : memref<640x64xf32, #tpu.memory_space<vmem>>, vector<1x16xf32>,
        %swap3A_362 = vector.shape_cast %swap3A_361 : vector<1x16xf32> to vector<16xf32>
        %swap3A_363 = vector.shape_cast %mul3A_358 : vector<16xf32> to vector<1x16xf32>
        tpu.vector_store %arg7[%swap3A_359, %swap3A_360], %swap3A_363 {strides = array<i32>} : memref<640x64xf32, #tpu.memory_space<vmem>>, vector<1x16xf32>,
        %get3A_364 = arith.index_cast %scan3A_339 : i32 to index
        %get3A_365 = arith.constant 32 : index
        %get3A_366 = tpu.vector_load %arg7[%get3A_364, %get3A_365] {strides = array<i32>} : memref<640x64xf32, #tpu.memory_space<vmem>>, vector<1x16xf32>,
        %get3A_367 = vector.shape_cast %get3A_366 : vector<1x16xf32> to vector<16xf32>
        %mul3A_368 = arith.constant 8.000000e+00 : f32
        %mul3A_369 = vector.broadcast %mul3A_368 : f32 to vector<16xf32>
        %mul3A_370 = arith.mulf %get3A_367, %mul3A_369 : vector<16xf32>
        %swap3A_371 = arith.index_cast %scan3A_339 : i32 to index
        %swap3A_372 = arith.constant 32 : index
        %swap3A_373 = tpu.vector_load %arg7[%swap3A_371, %swap3A_372] {strides = array<i32>} : memref<640x64xf32, #tpu.memory_space<vmem>>, vector<1x16xf32>,
        %swap3A_374 = vector.shape_cast %swap3A_373 : vector<1x16xf32> to vector<16xf32>
        %swap3A_375 = vector.shape_cast %mul3A_370 : vector<16xf32> to vector<1x16xf32>
        tpu.vector_store %arg7[%swap3A_371, %swap3A_372], %swap3A_375 {strides = array<i32>} : memref<640x64xf32, #tpu.memory_space<vmem>>, vector<1x16xf32>,
        %get3A_376 = arith.index_cast %scan3A_339 : i32 to index
        %get3A_377 = arith.constant 48 : index
        %get3A_378 = tpu.vector_load %arg7[%get3A_376, %get3A_377] {strides = array<i32>} : memref<640x64xf32, #tpu.memory_space<vmem>>, vector<1x16xf32>,
        %get3A_379 = vector.shape_cast %get3A_378 : vector<1x16xf32> to vector<16xf32>
        %mul3A_380 = arith.constant 8.000000e+00 : f32
        %mul3A_381 = vector.broadcast %mul3A_380 : f32 to vector<16xf32>
        %mul3A_382 = arith.mulf %get3A_379, %mul3A_381 : vector<16xf32>
        %swap3A_383 = arith.index_cast %scan3A_339 : i32 to index
        %swap3A_384 = arith.constant 48 : index
        %swap3A_385 = tpu.vector_load %arg7[%swap3A_383, %swap3A_384] {strides = array<i32>} : memref<640x64xf32, #tpu.memory_space<vmem>>, vector<1x16xf32>,
        %swap3A_386 = vector.shape_cast %swap3A_385 : vector<1x16xf32> to vector<16xf32>
        %swap3A_387 = vector.shape_cast %mul3A_382 : vector<16xf32> to vector<1x16xf32>
        tpu.vector_store %arg7[%swap3A_383, %swap3A_384], %swap3A_387 {strides = array<i32>} : memref<640x64xf32, #tpu.memory_space<vmem>>, vector<1x16xf32>,
        %scan3A_388 = arith.constant 6 : i32
        %scan3A_389 = arith.addi %scan3A_91, %scan3A_388 : i32
        %get3A_390 = arith.index_cast %scan3A_389 : i32 to index
        %get3A_391 = arith.constant 0 : index
        %get3A_392 = tpu.vector_load %arg7[%get3A_390, %get3A_391] {strides = array<i32>} : memref<640x64xf32, #tpu.memory_space<vmem>>, vector<1x16xf32>,
        %get3A_393 = vector.shape_cast %get3A_392 : vector<1x16xf32> to vector<16xf32>
        %mul3A_394 = arith.constant 8.000000e+00 : f32
        %mul3A_395 = vector.broadcast %mul3A_394 : f32 to vector<16xf32>
        %mul3A_396 = arith.mulf %get3A_393, %mul3A_395 : vector<16xf32>
        %swap3A_397 = arith.index_cast %scan3A_389 : i32 to index
        %swap3A_398 = arith.constant 0 : index
        %swap3A_399 = tpu.vector_load %arg7[%swap3A_397, %swap3A_398] {strides = array<i32>} : memref<640x64xf32, #tpu.memory_space<vmem>>, vector<1x16xf32>,
        %swap3A_400 = vector.shape_cast %swap3A_399 : vector<1x16xf32> to vector<16xf32>
        %swap3A_401 = vector.shape_cast %mul3A_396 : vector<16xf32> to vector<1x16xf32>
        tpu.vector_store %arg7[%swap3A_397, %swap3A_398], %swap3A_401 {strides = array<i32>} : memref<640x64xf32, #tpu.memory_space<vmem>>, vector<1x16xf32>,
        %get3A_402 = arith.index_cast %scan3A_389 : i32 to index
        %get3A_403 = arith.constant 16 : index
        %get3A_404 = tpu.vector_load %arg7[%get3A_402, %get3A_403] {strides = array<i32>} : memref<640x64xf32, #tpu.memory_space<vmem>>, vector<1x16xf32>,
        %get3A_405 = vector.shape_cast %get3A_404 : vector<1x16xf32> to vector<16xf32>
        %mul3A_406 = arith.constant 8.000000e+00 : f32
        %mul3A_407 = vector.broadcast %mul3A_406 : f32 to vector<16xf32>
        %mul3A_408 = arith.mulf %get3A_405, %mul3A_407 : vector<16xf32>
        %swap3A_409 = arith.index_cast %scan3A_389 : i32 to index
        %swap3A_410 = arith.constant 16 : index
        %swap3A_411 = tpu.vector_load %arg7[%swap3A_409, %swap3A_410] {strides = array<i32>} : memref<640x64xf32, #tpu.memory_space<vmem>>, vector<1x16xf32>,
        %swap3A_412 = vector.shape_cast %swap3A_411 : vector<1x16xf32> to vector<16xf32>
        %swap3A_413 = vector.shape_cast %mul3A_408 : vector<16xf32> to vector<1x16xf32>
        tpu.vector_store %arg7[%swap3A_409, %swap3A_410], %swap3A_413 {strides = array<i32>} : memref<640x64xf32, #tpu.memory_space<vmem>>, vector<1x16xf32>,
        %get3A_414 = arith.index_cast %scan3A_389 : i32 to index
        %get3A_415 = arith.constant 32 : index
        %get3A_416 = tpu.vector_load %arg7[%get3A_414, %get3A_415] {strides = array<i32>} : memref<640x64xf32, #tpu.memory_space<vmem>>, vector<1x16xf32>,
        %get3A_417 = vector.shape_cast %get3A_416 : vector<1x16xf32> to vector<16xf32>
        %mul3A_418 = arith.constant 8.000000e+00 : f32
        %mul3A_419 = vector.broadcast %mul3A_418 : f32 to vector<16xf32>
        %mul3A_420 = arith.mulf %get3A_417, %mul3A_419 : vector<16xf32>
        %swap3A_421 = arith.index_cast %scan3A_389 : i32 to index
        %swap3A_422 = arith.constant 32 : index
        %swap3A_423 = tpu.vector_load %arg7[%swap3A_421, %swap3A_422] {strides = array<i32>} : memref<640x64xf32, #tpu.memory_space<vmem>>, vector<1x16xf32>,
        %swap3A_424 = vector.shape_cast %swap3A_423 : vector<1x16xf32> to vector<16xf32>
        %swap3A_425 = vector.shape_cast %mul3A_420 : vector<16xf32> to vector<1x16xf32>
        tpu.vector_store %arg7[%swap3A_421, %swap3A_422], %swap3A_425 {strides = array<i32>} : memref<640x64xf32, #tpu.memory_space<vmem>>, vector<1x16xf32>,
        %get3A_426 = arith.index_cast %scan3A_389 : i32 to index
        %get3A_427 = arith.constant 48 : index
        %get3A_428 = tpu.vector_load %arg7[%get3A_426, %get3A_427] {strides = array<i32>} : memref<640x64xf32, #tpu.memory_space<vmem>>, vector<1x16xf32>,
        %get3A_429 = vector.shape_cast %get3A_428 : vector<1x16xf32> to vector<16xf32>
        %mul3A_430 = arith.constant 8.000000e+00 : f32
        %mul3A_431 = vector.broadcast %mul3A_430 : f32 to vector<16xf32>
        %mul3A_432 = arith.mulf %get3A_429, %mul3A_431 : vector<16xf32>
        %swap3A_433 = arith.index_cast %scan3A_389 : i32 to index
        %swap3A_434 = arith.constant 48 : index
        %swap3A_435 = tpu.vector_load %arg7[%swap3A_433, %swap3A_434] {strides = array<i32>} : memref<640x64xf32, #tpu.memory_space<vmem>>, vector<1x16xf32>,
        %swap3A_436 = vector.shape_cast %swap3A_435 : vector<1x16xf32> to vector<16xf32>
        %swap3A_437 = vector.shape_cast %mul3A_432 : vector<16xf32> to vector<1x16xf32>
        tpu.vector_store %arg7[%swap3A_433, %swap3A_434], %swap3A_437 {strides = array<i32>} : memref<640x64xf32, #tpu.memory_space<vmem>>, vector<1x16xf32>,
        %scan3A_438 = arith.constant 7 : i32
        %scan3A_439 = arith.addi %scan3A_91, %scan3A_438 : i32
        %get3A_440 = arith.index_cast %scan3A_439 : i32 to index
        %get3A_441 = arith.constant 0 : index
        %get3A_442 = tpu.vector_load %arg7[%get3A_440, %get3A_441] {strides = array<i32>} : memref<640x64xf32, #tpu.memory_space<vmem>>, vector<1x16xf32>,
        %get3A_443 = vector.shape_cast %get3A_442 : vector<1x16xf32> to vector<16xf32>
        %mul3A_444 = arith.constant 8.000000e+00 : f32
        %mul3A_445 = vector.broadcast %mul3A_444 : f32 to vector<16xf32>
        %mul3A_446 = arith.mulf %get3A_443, %mul3A_445 : vector<16xf32>
        %swap3A_447 = arith.index_cast %scan3A_439 : i32 to index
        %swap3A_448 = arith.constant 0 : index
        %swap3A_449 = tpu.vector_load %arg7[%swap3A_447, %swap3A_448] {strides = array<i32>} : memref<640x64xf32, #tpu.memory_space<vmem>>, vector<1x16xf32>,
        %swap3A_450 = vector.shape_cast %swap3A_449 : vector<1x16xf32> to vector<16xf32>
        %swap3A_451 = vector.shape_cast %mul3A_446 : vector<16xf32> to vector<1x16xf32>
        tpu.vector_store %arg7[%swap3A_447, %swap3A_448], %swap3A_451 {strides = array<i32>} : memref<640x64xf32, #tpu.memory_space<vmem>>, vector<1x16xf32>,
        %get3A_452 = arith.index_cast %scan3A_439 : i32 to index
        %get3A_453 = arith.constant 16 : index
        %get3A_454 = tpu.vector_load %arg7[%get3A_452, %get3A_453] {strides = array<i32>} : memref<640x64xf32, #tpu.memory_space<vmem>>, vector<1x16xf32>,
        %get3A_455 = vector.shape_cast %get3A_454 : vector<1x16xf32> to vector<16xf32>
        %mul3A_456 = arith.constant 8.000000e+00 : f32
        %mul3A_457 = vector.broadcast %mul3A_456 : f32 to vector<16xf32>
        %mul3A_458 = arith.mulf %get3A_455, %mul3A_457 : vector<16xf32>
        %swap3A_459 = arith.index_cast %scan3A_439 : i32 to index
        %swap3A_460 = arith.constant 16 : index
        %swap3A_461 = tpu.vector_load %arg7[%swap3A_459, %swap3A_460] {strides = array<i32>} : memref<640x64xf32, #tpu.memory_space<vmem>>, vector<1x16xf32>,
        %swap3A_462 = vector.shape_cast %swap3A_461 : vector<1x16xf32> to vector<16xf32>
        %swap3A_463 = vector.shape_cast %mul3A_458 : vector<16xf32> to vector<1x16xf32>
        tpu.vector_store %arg7[%swap3A_459, %swap3A_460], %swap3A_463 {strides = array<i32>} : memref<640x64xf32, #tpu.memory_space<vmem>>, vector<1x16xf32>,
        %get3A_464 = arith.index_cast %scan3A_439 : i32 to index
        %get3A_465 = arith.constant 32 : index
        %get3A_466 = tpu.vector_load %arg7[%get3A_464, %get3A_465] {strides = array<i32>} : memref<640x64xf32, #tpu.memory_space<vmem>>, vector<1x16xf32>,
        %get3A_467 = vector.shape_cast %get3A_466 : vector<1x16xf32> to vector<16xf32>
        %mul3A_468 = arith.constant 8.000000e+00 : f32
        %mul3A_469 = vector.broadcast %mul3A_468 : f32 to vector<16xf32>
        %mul3A_470 = arith.mulf %get3A_467, %mul3A_469 : vector<16xf32>
        %swap3A_471 = arith.index_cast %scan3A_439 : i32 to index
        %swap3A_472 = arith.constant 32 : index
        %swap3A_473 = tpu.vector_load %arg7[%swap3A_471, %swap3A_472] {strides = array<i32>} : memref<640x64xf32, #tpu.memory_space<vmem>>, vector<1x16xf32>,
        %swap3A_474 = vector.shape_cast %swap3A_473 : vector<1x16xf32> to vector<16xf32>
        %swap3A_475 = vector.shape_cast %mul3A_470 : vector<16xf32> to vector<1x16xf32>
        tpu.vector_store %arg7[%swap3A_471, %swap3A_472], %swap3A_475 {strides = array<i32>} : memref<640x64xf32, #tpu.memory_space<vmem>>, vector<1x16xf32>,
        %get3A_476 = arith.index_cast %scan3A_439 : i32 to index
        %get3A_477 = arith.constant 48 : index
        %get3A_478 = tpu.vector_load %arg7[%get3A_476, %get3A_477] {strides = array<i32>} : memref<640x64xf32, #tpu.memory_space<vmem>>, vector<1x16xf32>,
        %get3A_479 = vector.shape_cast %get3A_478 : vector<1x16xf32> to vector<16xf32>
        %mul3A_480 = arith.constant 8.000000e+00 : f32
        %mul3A_481 = vector.broadcast %mul3A_480 : f32 to vector<16xf32>
        %mul3A_482 = arith.mulf %get3A_479, %mul3A_481 : vector<16xf32>
        %swap3A_483 = arith.index_cast %scan3A_439 : i32 to index
        %swap3A_484 = arith.constant 48 : index
        %swap3A_485 = tpu.vector_load %arg7[%swap3A_483, %swap3A_484] {strides = array<i32>} : memref<640x64xf32, #tpu.memory_space<vmem>>, vector<1x16xf32>,
        %swap3A_486 = vector.shape_cast %swap3A_485 : vector<1x16xf32> to vector<16xf32>
        %swap3A_487 = vector.shape_cast %mul3A_482 : vector<16xf32> to vector<1x16xf32>
        tpu.vector_store %arg7[%swap3A_483, %swap3A_484], %swap3A_487 {strides = array<i32>} : memref<640x64xf32, #tpu.memory_space<vmem>>, vector<1x16xf32>,
      }
      %scan3A_83 = arith.constant 640 : i32
      %mul3A_84 = arith.constant 640 : i32
      %mul3A_85 = arith.muli %add3A_55, %mul3A_84 : i32
      %add3A_86 = arith.addi %mul3A_2, %mul3A_85 : i32
      %dma_start3A_87 = arith.constant 0 : i32
      %dma_start3A_88 = tpu.memref_slice %arg4[%add3A_86, %dma_start3A_87] : memref<819200x64xf32, #tpu.memory_space<hbm>> -> memref<640x64xf32, #tpu.memory_space<hbm>>
      %dma_start3A_89 = arith.constant 0 : i32
      %dma_start3A_90 = tpu.memref_slice %arg4[%add3A_86, %dma_start3A_89] : memref<819200x64xf32, #tpu.memory_space<hbm>> -> memref<640x64xf32, #tpu.memory_space<hbm>>
      tpu.enqueue_dma source(%arg7 : memref<640x64xf32, #tpu.memory_space<vmem>>) target(%dma_start3A_90 : memref<640x64xf32, #tpu.memory_space<hbm>>) target_semaphore(%arg11 : memref<!tpu.dma_semaphore, #tpu.memory_space<semaphore_mem>>)
    }
    %scan3A_11 = arith.constant 20 : i32
    %dma_wait3A = arith.constant 0 : i32
    %dma_wait3A_12 = tpu.memref_slice %arg4[%mul3A_2, %dma_wait3A] : memref<819200x64xf32, #tpu.memory_space<hbm>> -> memref<640x64xf32, #tpu.memory_space<hbm>>
    %dma_wait3A_13 = arith.constant 0 : i32
    %dma_wait3A_14 = tpu.memref_slice %arg4[%mul3A_2, %dma_wait3A_13] : memref<819200x64xf32, #tpu.memory_space<hbm>> -> memref<640x64xf32, #tpu.memory_space<hbm>>
    tpu.wait_dma2 semaphore(%arg10 : memref<!tpu.dma_semaphore, #tpu.memory_space<semaphore_mem>>) src(%arg6 : memref<640x64xf32, #tpu.memory_space<vmem>>) dst(%dma_wait3A_14 : memref<640x64xf32, #tpu.memory_space<hbm>>)
    %dma_wait3A_15 = arith.constant 0 : i32
    %dma_wait3A_16 = tpu.memref_slice %arg4[%mul3A_2, %dma_wait3A_15] : memref<819200x64xf32, #tpu.memory_space<hbm>> -> memref<640x64xf32, #tpu.memory_space<hbm>>
    %dma_wait3A_17 = arith.constant 0 : i32
    %dma_wait3A_18 = tpu.memref_slice %arg4[%mul3A_2, %dma_wait3A_17] : memref<819200x64xf32, #tpu.memory_space<hbm>> -> memref<640x64xf32, #tpu.memory_space<hbm>>
    tpu.wait_dma2 semaphore(%arg11 : memref<!tpu.dma_semaphore, #tpu.memory_space<semaphore_mem>>) src(%arg7 : memref<640x64xf32, #tpu.memory_space<vmem>>) dst(%dma_wait3A_18 : memref<640x64xf32, #tpu.memory_space<hbm>>)
    return
  }
}

</mosaic_0001>

<sc_bundles>
// kernel: kernel.3.cloned.1.call-start
scs
__scs_entry_jumppad:
0x0: {  	(pc) =	sbr.rel $0x88, $3  }
0x1: {  	(tag) =	ssettag $0x0;
	lr =	simm.s32 $0x1  }
0x2: {  	[smem:$0x3F9F] =	sst lr;
	_ =	strace $0xD0000000  }
0x3: {  	_ = 	snop  }
0x4: {  	_ = 	snop  }
0x5: {  	_ = 	snop  }
0x6: {  	_ = 	snop  }
0x7: {  	_ = 	snop  }
__scs_overlays_trampoline_lowered:
0x8: {  	[smem:$0x3FAE] =	sst s0  }
0x9: {  	[smem:$0x3FAF] =	sst s1  }
0xa: {  	[smem:$0x3FB0] =	sst s2  }
0xb: {  	[smem:$0x3FB1] =	sst s3  }
0xc: {  	[smem:$0x3FB2] =	sst s4  }
0xd: {  	[smem:$0x3FB3] =	sst s5  }
0xe: {  	[smem:$0x3FB4] =	sst s6  }
0xf: {  	[smem:$0x3FB5] =	sst s7  }
0x10: {  	[smem:$0x3FB6] =	sst s8  }
0x11: {  	[smem:$0x3FB7] =	sst s9;
	s0 =	simm.s32 @!p0 $0x0  }
0x12: {  	s1 =	sld [smem:$0x3F9D];
	s0 =	simm.s32 @p0 $0x1  }
0x13: {  	[smem:$0x3FB8] =	sst s0;
	s0 =	simm.s32 @!p1 $0x0  }
0x14: {  	s2 =	sld [smem:$0x3F9C];
	s0 =	simm.s32 @p1 $0x1  }
0x15: {  	[smem:$0x3FB9] =	sst s0;
	s0 =	simm.s32 @!p2 $0x0  }
0x16: {  	s3 =	sld [smem:$0x3FDB];
	s0 =	simm.s32 @p2 $0x1  }
0x17: {  	s4 =	simm.s32 $0x1BF5;
	[smem:$0x3FBB] =	sst s0  }
0x18: {  	s0 =	sld [smem:$0x3F9E];
	_ =	swait.ge [sflag:s4], $0x0  }
0x19: {  	s7 =	sld [smem:$0x3F9F]  }
0x1a: {  	s8 =	sadd.s32 $0xFFFFE003, lr  }
0x1b: {  	s9 =	sadd.s32 $0xFFFFFEF7, lr;
	s5 =	simm.s32 $0xFFFFFFFF;
	p2 =	slt.u32 s8, $0xFFFFF086  }
0x1c: {  	p1 =	slt.u32 s9, $0xF7A;
	s5 =	simm.s32 @!p2 $0x0  }
0x1d: {  	s5 =	simm.s32 @p1 $0x1;
	p0 =	seq.s32 s7, s2  }
0x1e: {  	s7 =	smul.u32 @!p0 $0xF7A, s2;
	p2 =	seq.s32 @!p0 s5, $0x0  }
0x1f: {  	s9 =	smul.u32 $0xF7A, s1;
	s8 =	simm.s32 @!p0 $0x1BF5;
	p2 =	por !p2, p0  }
0x20: {  	[sflag:s8] =	ssyncset.s32 @!p0 $0xFFFFF086;
	s6 =	sadd.s32 @!p0 s3, s7;
	s7 =	simm.s32 @!p0 $0x108  }
0x21: {  	s3 =	sadd.s32 s3, s9;
	s6 =	sadd.s32 @!p0 $0x88, s6;
	s7 =	simm.s32 @p2 $0x1082  }
0x22: {  	[simem:s7], [sflag:s8] =	dma.local @!p0 [hbm:s6], $0xF7A  }
0x23: {  	s9 =	sor.u32 $0xD0000000, s2;
	s6 =	simm.s32 $0x108;
	_ =	swait.ge @!p0 [sflag:s8], $0x0  }
0x24: {  	s3 =	sadd.s32 $0x88, s3;
	s6 =	simm.s32 @!p1 $0x1082;
	[sflag:s4] =	ssyncset.s32 $0xFFFFF086  }
0x25: {  	[simem:s6], [sflag:s4] =	dma.local [hbm:s3], $0xF7A  }
0x26: {  	[smem:$0x3F9F] =	sst s1;
	(tag) =	ssettag s2;
	_ =	strace s9  }
0x27: {  	s1 =	sld [smem:$0x3FAF]  }
0x28: {  	s2 =	sld [smem:$0x3FB0]  }
0x29: {  	s4 =	sld [smem:$0x3FB2]  }
0x2a: {  	p0 =	seq.s32 s5, $0x0;
	s5 =	sld [smem:$0x3FB3]  }
0x2b: {  	s6 =	sld [smem:$0x3FB4]  }
0x2c: {  	s7 =	sld [smem:$0x3FB5]  }
0x2d: {  	s3 =	simm.s32 $0x108;
	s8 =	sld [smem:$0x3FB6]  }
0x2e: {  	s3 =	simm.s32 @!p0 $0x1082;
	s9 =	sld [smem:$0x3FB7]  }
0x2f: {  	lr =	sadd.s32 s0, s3;
	s0 =	sld [smem:$0x3FAE]  }
0x30: {  	s3 =	sld [smem:$0x3FB1]  }
0x31: {  	[smem:$0x3FBA] =	sst s10  }
0x32: {  	s10 =	sld [smem:$0x3FB8];
	_ =	sdelay $0x3  }
0x33: {  	p0 =	seq.s32 s10, $0x1;
	s10 =	sld [smem:$0x3FBA];
	_ =	sdelay $0x3  }
0x34: {  	[smem:$0x3FBA] =	sst s10  }
0x35: {  	s10 =	sld [smem:$0x3FB9];
	_ =	sdelay $0x3  }
0x36: {  	p1 =	seq.s32 s10, $0x1;
	s10 =	sld [smem:$0x3FBA];
	_ =	sdelay $0x3  }
0x37: {  	[smem:$0x3FBA] =	sst s10  }
0x38: {  	s10 =	sld [smem:$0x3FBB]  }
0x39: {  	_ = 	snop;
	(pc) =	sbr.ind lr, $3  }
0x3a: {  	_ = 	snop  }
0x3b: {  	_ = 	snop  }
0x3c: {  	p2 =	seq.s32 s10, $0x1;
	s10 =	sld [smem:$0x3FBA]  }
0x3d: {  	_ =	shalt  }
0x3e: {  	_ =	shalt  }
0x3f: {  	_ =	shalt  }
0x40: {  	_ =	shalt  }
0x41: {  	_ =	shalt  }
0x42: {  	_ =	shalt  }
0x43: {  	_ =	shalt  }
0x44: {  	_ =	shalt  }
0x45: {  	_ =	shalt  }
0x46: {  	_ =	shalt  }
0x47: {  	_ =	shalt  }
0x48: {  	_ =	shalt  }
0x49: {  	_ =	shalt  }
0x4a: {  	_ =	shalt  }
0x4b: {  	_ =	shalt  }
0x4c: {  	_ =	shalt  }
0x4d: {  	_ =	shalt  }
0x4e: {  	_ =	shalt  }
0x4f: {  	_ =	shalt  }
0x50: {  	_ =	shalt  }
0x51: {  	_ =	shalt  }
0x52: {  	_ =	shalt  }
0x53: {  	_ =	shalt  }
0x54: {  	_ =	shalt  }
0x55: {  	_ =	shalt  }
0x56: {  	_ =	shalt  }
0x57: {  	_ =	shalt  }
0x58: {  	_ =	shalt  }
0x59: {  	_ =	shalt  }
0x5a: {  	_ =	shalt  }
0x5b: {  	_ =	shalt  }
0x5c: {  	_ =	shalt  }
0x5d: {  	_ =	shalt  }
0x5e: {  	_ =	shalt  }
0x5f: {  	_ =	shalt  }
0x60: {  	_ =	shalt  }
0x61: {  	_ =	shalt  }
0x62: {  	_ =	shalt  }
0x63: {  	_ =	shalt  }
0x64: {  	_ =	shalt  }
0x65: {  	_ =	shalt  }
0x66: {  	_ =	shalt  }
0x67: {  	_ =	shalt  }
0x68: {  	_ =	shalt  }
0x69: {  	_ =	shalt  }
0x6a: {  	_ =	shalt  }
0x6b: {  	_ =	shalt  }
0x6c: {  	_ =	shalt  }
0x6d: {  	_ =	shalt  }
0x6e: {  	_ =	shalt  }
0x6f: {  	_ =	shalt  }
0x70: {  	_ =	shalt  }
0x71: {  	_ =	shalt  }
0x72: {  	_ =	shalt  }
0x73: {  	_ =	shalt  }
0x74: {  	_ =	shalt  }
0x75: {  	_ =	shalt  }
0x76: {  	_ =	shalt  }
0x77: {  	_ =	shalt  }
0x78: {  	_ =	shalt  }
0x79: {  	_ =	shalt  }
0x7a: {  	_ =	shalt  }
0x7b: {  	_ =	shalt  }
0x7c: {  	_ =	shalt  }
0x7d: {  	_ =	shalt  }
0x7e: {  	_ =	shalt  }
0x7f: {  	_ =	shalt  }
0x80: {  	_ =	shalt  }
0x81: {  	_ =	shalt  }
0x82: {  	_ =	shalt  }
0x83: {  	_ =	shalt  }
0x84: {  	_ =	shalt  }
0x85: {  	_ =	shalt  }
0x86: {  	_ =	shalt  }
0x87: {  	_ =	shalt  }
.Lfunc_end0:
.L_simem_size_0:
called_computation.1_lowered:
.L_overlay_start_0:
0x88: {  	s2 =	sld [smem:$0x3FD9]  }
0x89: {  	s3 =	sld [smem:$0x3FFE];
	_ =	sdelay $0x1  }
0x8a: {  	s1 =	srdreg.scid  }
0x8b: {  	s0 =	sand.u32 $0x1, s1  }
0x8c: {  	s17 =	sshll.u32 s0, $0xA;
	s2 =	sadd.s32 s3, s2  }
0x8d: {  	s2 =	sadd.s32 s2, s17  }
0x8e: {  	[smem:$0x3FC6] =	sst s2  }
0x8f: {  	_ = 	snop  }
0x90: {  	s2 =	sld [smem:$0x3FD0];
	(tm) =	ssettm $0x1  }
0x91: {  	s18 =	sld [smem:$0x3FFB];
	_ =	sdelay $0x3  }
0x92: {  	_ =	strace s18  }
0x93: {  	s3 =	sld [smem:$0x3FFC];
	_ =	sdelay $0x3  }
0x94: {  	_ =	strace s3  }
0x95: {  	s3 =	sld [smem:$0x3FFD];
	_ =	sdelay $0x3  }
0x96: {  	_ =	strace s3  }
0x97: {  	_ =	strace $0x8FFFFFFF  }
0x98: {  	s19 =	sld [smem:$0x3FDB];
	_ =	sdelay $0x1  }
0x99: {  	s4 =	simm.s32 $_scs_section_size  }
0x9a: {  	s5 =	simm.s32 $_size__tile_overlayer_lowered;
	s6 =	simm.s32 $_tile_overlayer_lowered  }
0x9b: {  	s22 =	simm.s32 $0x1BFF;
	s21 =	sshll.u32 s6, $0x1;
	s3 =	sadd.s32 s4, s19  }
0x9c: {  	s7 =	simm.s32 $0x0;
	s20 =	sshll.u32 s5, $0x1;
	s5 =	sadd.s32 s21, s3  }
0x9d: {  	[timem:s7], [sflag:s22] =	dma.local [hbm:s5], s20  }
0x9e: {  	_ =	swait.ge [sflag:s22], s20  }
0x9f: {  	s4 =	ssub.s32 $0x0, s20;
	[sflag:s22] =	ssyncset.done $0x0  }
0xa0: {  	[sflag:s22] =	ssyncadd.s32 s4;
	_ =	sdelay $0x1  }
0xa1: {  	s23 =	simm.s32 $0x1B8B  }
0xa2: {  	_ =	swait.ge [sflag:s23], $0x1  }
0xa3: {  	[sflag:s23] =	ssyncset.done $0x0  }
0xa4: {  	s25 =	simm.s32 $0x1B8E;
	s24 =	sld [smem:$0x3FFE];
	[sflag:s23] =	ssyncadd.s32 $0xFFFFFFFF  }
0xa5: {  	s26 =	simm.s32 $execute0_lowered;
	[smem:$0x3FD2] =	sst s25  }
0xa6: {  	s5 =	sshll.u32 s26, $0x1;
	_ =	strace $0x80000046;
	[dreg:$0x1] =	wrdreg $0xFFFFFFFF  }
0xa7: {  	s28 =	simm.s32 $_size_execute0_lowered;
	s3 =	sadd.s32 s3, s5;
	[dreg:$0x0] =	wrdreg $0x0  }
0xa8: {  	s5 =	sshll.u32 s28, $0x1;
	[dreg:$0x2] =	wrdreg s3  }
0xa9: {  	[dreg:$0x3] =	wrdreg s5  }
0xaa: {  	[dreg:$0x4] =	wrdreg $0xC0  }
0xab: {  	_ =	task [dreg:s7], $0x5FFFF  }
0xac: {  	[dreg:$0x1] =	wrdreg $0xFFFFFFFF  }
0xad: {  	[dreg:$0x0] =	wrdreg $0x60  }
0xae: {  	[dreg:$0x2] =	wrdreg s24  }
0xaf: {  	[dreg:$0x3] =	wrdreg s2  }
0xb0: {  	[dreg:$0x4] =	wrdreg $0x9  }
0xb1: {  	_ =	task.clear_ibuf [dreg:s7], $0x5FFFF;
	_ =	strace $0x90000046  }
0xb2: {  	s29 =	simm.s32 $0x9;
	_ =	strace $0x80000048  }
0xb3: {  	_ =	swait.ge [sflag:s29], $0x1  }
0xb4: {  	[sflag:s29] =	ssyncadd.s32 $0xFFFFFFFF  }
0xb5: {  	_ =	strace $0x90000048  }
0xb6: {  	_ =	sfence  }
0xb7: {  	s30 =	sld [smem:$0x0];
	_ =	sdelay $0x2  }
0xb8: {  	s31 =	sshll.u32 s1, $0xD;
	s1 =	sshrl.u32 s1, $0x2  }
0xb9: {  	s3 =	sand.u32 $0x4000, s31;
	s1 =	sadd.s32 s1, s30  }
0xba: {  	s0 =	sor.u32 s3, s0;
	s1 =	sshll.u32 s1, $0x11  }
0xbb: {  	s0 =	sor.u32 s1, s0  }
0xbc: {  	s0 =	sadd.s32 $0x8F2B, s0  }
0xbd: {  	[sflag:s0] =	ssyncadd.remote.s32 $0x1  }
0xbe: {  	_ =	sfence.sel $0xFFFF  }
0xbf: {  	[dreg:$0x0] =	wrdreg $0xFFFFFFFF;
	(pc) =	sbr.abs _section_cstart, $3  }
0xc0: {  	[dreg:$0x1] =	wrdreg $0xFFFFFFFF  }
0xc1: {  	_ =	task.clear_ibuf [dreg:s7], $0x2FFFF;
	_ =	strace $0x9FFFFFFF  }
0xc2: {  	(tm) =	ssettm $0x7FFFFFFF  }
0xc3: {  	_ =	shalt  }
tec
execute0_lowered:
.L_overlay_start_1:
0x0: {  	(tag) =	ssettag $0x1  }
0x1: {  	s1 =	srdreg.scid;
	s6 =	rddreg [dreg:$0x0]  }
0x2: {  	s0 =	stileid.u32;
	s2 =	rddreg [dreg:$0x1];
	s4 =	simm.s32 $0x0  }
0x3: {  	s9 =	simm.s32 $0x280;
	s10 =	simm.s32 $0x6400;
	s11 =	simm.s32 $0x10400  }
0x4: {  	s12 =	simm.s32 $0x1;
	s5 =	sand.u32 $0x1, s1;
	s31 =	sshll.u32 s0, $0x1  }
0x5: {  	s13 =	simm.s32 $0x2;
	s14 =	simm.s32 $0x3;
	s1 =	sor.u32 s5, s31  }
0x6: {  	s15 =	simm.s32 $0x4;
	[smem:$0x7FF] =	sst s4;
	s3 =	smul.u32 $0x6400, s1  }
0x7: {  	s16 =	simm.s32 $0x0;
	s5 =	ssub.s32 $0x2, s5;
	s1 =	rddreg [dreg:$0x2]  }
0x8: {  	s8 =	sshrl.u32 s5, $0x1;
	_ =	strace $0x80000047;
	s7 =	sshrl.u32 s3, $0x3  }
0x9: {  	s8 =	ssub.s32 s5, s8;
	s5 =	sadd.s32 $0xF42E00, s6;
	s7 =	sadd.s32 s7, s6  }
0xa: {  	s6 =	sadd.s32 $0xA00, s7;
	s7 =	smax.u32 s8, $0x1;
	s8 =	simm.s32 $0x5  }
.LBB2_1:
0xb: {  	[tilespmem:s4], [sflag:$0x5] =	stream.linear.gather [hbm4b:s6+s4], $0x6400, $0x38;
	[tilespmem:$0x1A400] =	vst v63  }
0xc: {  	_ =	swait.ge [sflag:s8], $0x6400  }
0xd: {  	[sflag:s8] =	ssyncset.done $0x0  }
0xe: {  	s17 =	simm.s32 $0x0;
	[sflag:s8] =	ssyncadd.s32 $0xFFFF9C00  }
0xf: {  	[tilespmem:s10], [sflag:$0x1] =	stream.indirect.gather [hbm4b:s5+s9], $0x40, s4, s9, $0xb8;
	[tilespmem:$0x1A400] =	vst v63  }
.LBB2_2:
0x10: {  	p0 =	seq.s32 s17, $0x0  }
0x11: {  	s18 =	sshllo.u32 s17, $0x1;
	s19 =	simm.s32 @!p0 $0x4  }
0x12: {  	s20 =	smul.u32 $0xA00, s18;
	_ =	swait.ge @!p0 [sflag:s19], $0xA000  }
0x13: {  	[sflag:s19] =	ssyncset.done @!p0 $0x0  }
0x14: {  	s31 =	sshra.s32 s20, $0x2;
	[sflag:s19] =	ssyncadd.s32 @!p0 $0xFFFF6000  }
0x15: {  	[tilespmem:s11], [sflag:$0x2] =	stream.indirect.gather [hbm4b:s5+s9], $0x40, s31, s9, $0xb8;
	[tilespmem:$0x1A400] =	vst v63  }
0x16: {  	_ =	swait.ge [sflag:s12], $0xA000  }
0x17: {  	[sflag:s12] =	ssyncset.done $0x0  }
0x18: {  	s19 =	simm.s32 $0x6500;
	[sflag:s12] =	ssyncadd.s32 $0xFFFF6000  }
0x19: {  	v0 =	vld [tilespmem:s19+$0xFFFFFF00]  }
0x1a: {  	v1 =	vld [tilespmem:s19+$0xFFFFFF10]  }
0x1b: {  	v2 =	vld [tilespmem:s19+$0xFFFFFF20]  }
0x1c: {  	v3 =	vld [tilespmem:s19+$0xFFFFFF30]  }
0x1d: {  	v4 =	vld [tilespmem:s19+$0xFFFFFF40]  }
0x1e: {  	v5 =	vld [tilespmem:s19+$0xFFFFFF50];
	v0 =	vmul.f32 $8.000000000e+00, v0  }
0x1f: {  	v6 =	vld [tilespmem:s19+$0xFFFFFF60];
	v1 =	vmul.f32 $8.000000000e+00, v1  }
0x20: {  	[tilespmem:s19+$0xFFFFFF00] =	vst v0;
	v0 =	vmul.f32 $8.000000000e+00, v2;
	v2 =	vld [tilespmem:s19+$0xFFFFFF70]  }
0x21: {  	[tilespmem:s19+$0xFFFFFF10] =	vst v1;
	v1 =	vmul.f32 $8.000000000e+00, v3;
	v3 =	vld [tilespmem:s19+$0xFFFFFF80]  }
0x22: {  	[tilespmem:s19+$0xFFFFFF20] =	vst v0;
	v0 =	vmul.f32 $8.000000000e+00, v4;
	v4 =	vld [tilespmem:s19+$0xFFFFFF90]  }
0x23: {  	[tilespmem:s19+$0xFFFFFF30] =	vst v1;
	v1 =	vmul.f32 $8.000000000e+00, v5;
	v5 =	vld [tilespmem:s19+$0xFFFFFFA0]  }
0x24: {  	[tilespmem:s19+$0xFFFFFF40] =	vst v0;
	v0 =	vmul.f32 $8.000000000e+00, v6;
	v6 =	vld [tilespmem:s19+$0xFFFFFFB0]  }
0x25: {  	[tilespmem:s19+$0xFFFFFF50] =	vst v1;
	v1 =	vmul.f32 $8.000000000e+00, v2;
	v2 =	vld [tilespmem:s19+$0xFFFFFFC0]  }
0x26: {  	[tilespmem:s19+$0xFFFFFF60] =	vst v0;
	v0 =	vmul.f32 $8.000000000e+00, v3;
	v3 =	vld [tilespmem:s19+$0xFFFFFFD0]  }
0x27: {  	[tilespmem:s19+$0xFFFFFF70] =	vst v1;
	v1 =	vmul.f32 $8.000000000e+00, v4;
	v4 =	vld [tilespmem:s19+$0xFFFFFFE0]  }
0x28: {  	[tilespmem:s19+$0xFFFFFF80] =	vst v0;
	v0 =	vmul.f32 $8.000000000e+00, v5;
	v5 =	vld [tilespmem:s19+$0x0]  }
0x29: {  	[tilespmem:s19+$0xFFFFFF90] =	vst v1;
	v1 =	vmul.f32 $8.000000000e+00, v6;
	v6 =	vld [tilespmem:s19+$0x10]  }
0x2a: {  	[tilespmem:s19+$0xFFFFFFA0] =	vst v0;
	v0 =	vmul.f32 $8.000000000e+00, v2;
	v2 =	vld [tilespmem:s19+$0x20]  }
0x2b: {  	[tilespmem:s19+$0xFFFFFFB0] =	vst v1;
	v1 =	vmul.f32 $8.000000000e+00, v3;
	v3 =	vld [tilespmem:s19+$0x30]  }
0x2c: {  	[tilespmem:s19+$0xFFFFFFC0] =	vst v0;
	v0 =	vmul.f32 $8.000000000e+00, v4;
	v4 =	vld [tilespmem:s19+$0x40]  }
0x2d: {  	[tilespmem:s19+$0xFFFFFFD0] =	vst v1;
	v1 =	vmul.f32 $8.000000000e+00, v5;
	v5 =	vld [tilespmem:s19+$0x50]  }
0x2e: {  	[tilespmem:s19+$0xFFFFFFE0] =	vst v0;
	v0 =	vmul.f32 $8.000000000e+00, v6;
	v6 =	vld [tilespmem:s19+$0x60]  }
0x2f: {  	[tilespmem:s19+$0x0] =	vst v1;
	v1 =	vmul.f32 $8.000000000e+00, v2;
	v2 =	vld [tilespmem:s19+$0x70]  }
0x30: {  	[tilespmem:s19+$0x10] =	vst v0;
	v0 =	vmul.f32 $8.000000000e+00, v3;
	v3 =	vld [tilespmem:s19+$0x80]  }
0x31: {  	[tilespmem:s19+$0x20] =	vst v1;
	v1 =	vmul.f32 $8.000000000e+00, v4;
	v4 =	vld [tilespmem:s19+$0x90]  }
0x32: {  	[tilespmem:s19+$0x30] =	vst v0;
	v0 =	vmul.f32 $8.000000000e+00, v5;
	v5 =	vld [tilespmem:s19+$0xA0]  }
0x33: {  	[tilespmem:s19+$0x40] =	vst v1;
	v1 =	vmul.f32 $8.000000000e+00, v6;
	v6 =	vld [tilespmem:s19+$0xB0]  }
0x34: {  	[tilespmem:s19+$0x50] =	vst v0;
	v2 =	vmul.f32 $8.000000000e+00, v2;
	v0 =	vld [tilespmem:s19+$0xC0]  }
0x35: {  	[tilespmem:s19+$0x60] =	vst v1;
	v7 =	vmul.f32 $8.000000000e+00, v3;
	v1 =	vld [tilespmem:s19+$0xD0]  }
0x36: {  	v3 =	vld [tilespmem:s19+$0xE0];
	[tilespmem:s19+$0x70] =	vst v2;
	v8 =	vmul.f32 $8.000000000e+00, v4  }
0x37: {  	v2 =	vld [tilespmem:s19+$0xF0];
	[tilespmem:s19+$0x80] =	vst v7;
	v5 =	vmul.f32 $8.000000000e+00, v5  }
0x38: {  	s21 =	simm.s32 $0x6700;
	s20 =	simm.s32 $0x0;
	v4 =	vld [tilespmem:s19+$0xFFFFFFF0];
	[tilespmem:s19+$0x90] =	vst v8;
	v6 =	vmul.f32 $8.000000000e+00, v6  }
.LBB2_3:
0x39: {  	v7 =	vld [tilespmem:s21+$0xFFFFFF00];
	[tilespmem:s19+$0xA0] =	vst v5;
	v0 =	vmul.f32 $8.000000000e+00, v0  }
0x3a: {  	v5 =	vld [tilespmem:s21+$0xFFFFFF10];
	[tilespmem:s19+$0xB0] =	vst v6;
	v1 =	vmul.f32 $8.000000000e+00, v1  }
0x3b: {  	v6 =	vld [tilespmem:s21+$0xFFFFFF20];
	[tilespmem:s19+$0xC0] =	vst v0;
	v0 =	vmul.f32 $8.000000000e+00, v3  }
0x3c: {  	v3 =	vld [tilespmem:s21+$0xFFFFFF30];
	[tilespmem:s19+$0xD0] =	vst v1;
	v1 =	vmul.f32 $8.000000000e+00, v2  }
0x3d: {  	v2 =	vld [tilespmem:s21+$0xFFFFFF40];
	v4 =	vmul.f32 $8.000000000e+00, v4;
	[tilespmem:s19+$0xE0] =	vst v0  }
0x3e: {  	v0 =	vmul.f32 $8.000000000e+00, v7;
	v7 =	vld [tilespmem:s21+$0xFFFFFF50];
	[tilespmem:s19+$0xF0] =	vst v1  }
0x3f: {  	v1 =	vmul.f32 $8.000000000e+00, v5;
	v5 =	vld [tilespmem:s21+$0xFFFFFF60];
	[tilespmem:s19+$0xFFFFFFF0] =	vst v4;
	s19 =	smov.u32 s21  }
0x40: {  	[tilespmem:s21+$0xFFFFFF00] =	vst v0;
	v0 =	vmul.f32 $8.000000000e+00, v6;
	v4 =	vld [tilespmem:s21+$0xFFFFFF70]  }
0x41: {  	[tilespmem:s21+$0xFFFFFF10] =	vst v1;
	v1 =	vmul.f32 $8.000000000e+00, v3;
	v3 =	vld [tilespmem:s21+$0xFFFFFF80]  }
0x42: {  	[tilespmem:s21+$0xFFFFFF20] =	vst v0;
	v0 =	vmul.f32 $8.000000000e+00, v2;
	v2 =	vld [tilespmem:s21+$0xFFFFFF90]  }
0x43: {  	[tilespmem:s21+$0xFFFFFF30] =	vst v1;
	v1 =	vmul.f32 $8.000000000e+00, v7;
	v6 =	vld [tilespmem:s21+$0xFFFFFFA0]  }
0x44: {  	[tilespmem:s21+$0xFFFFFF40] =	vst v0;
	v0 =	vmul.f32 $8.000000000e+00, v5;
	v5 =	vld [tilespmem:s21+$0xFFFFFFB0]  }
0x45: {  	[tilespmem:s21+$0xFFFFFF50] =	vst v1;
	v1 =	vmul.f32 $8.000000000e+00, v4;
	v4 =	vld [tilespmem:s21+$0xFFFFFFC0]  }
0x46: {  	[tilespmem:s21+$0xFFFFFF60] =	vst v0;
	v0 =	vmul.f32 $8.000000000e+00, v3;
	v3 =	vld [tilespmem:s21+$0xFFFFFFD0]  }
0x47: {  	[tilespmem:s21+$0xFFFFFF70] =	vst v1;
	v1 =	vmul.f32 $8.000000000e+00, v2;
	v2 =	vld [tilespmem:s21+$0xFFFFFFE0]  }
0x48: {  	[tilespmem:s21+$0xFFFFFF80] =	vst v0;
	v0 =	vmul.f32 $8.000000000e+00, v6;
	v6 =	vld [tilespmem:s21+$0x0]  }
0x49: {  	[tilespmem:s21+$0xFFFFFF90] =	vst v1;
	v1 =	vmul.f32 $8.000000000e+00, v5;
	v5 =	vld [tilespmem:s21+$0x10]  }
0x4a: {  	[tilespmem:s21+$0xFFFFFFA0] =	vst v0;
	v0 =	vmul.f32 $8.000000000e+00, v4;
	v4 =	vld [tilespmem:s21+$0x20]  }
0x4b: {  	[tilespmem:s21+$0xFFFFFFB0] =	vst v1;
	v1 =	vmul.f32 $8.000000000e+00, v3;
	v3 =	vld [tilespmem:s21+$0x30]  }
0x4c: {  	[tilespmem:s21+$0xFFFFFFC0] =	vst v0;
	v0 =	vmul.f32 $8.000000000e+00, v2;
	v2 =	vld [tilespmem:s21+$0x40]  }
0x4d: {  	[tilespmem:s21+$0xFFFFFFD0] =	vst v1;
	v1 =	vmul.f32 $8.000000000e+00, v6;
	v6 =	vld [tilespmem:s21+$0x50]  }
0x4e: {  	[tilespmem:s21+$0xFFFFFFE0] =	vst v0;
	v0 =	vmul.f32 $8.000000000e+00, v5;
	v5 =	vld [tilespmem:s21+$0x60]  }
0x4f: {  	[tilespmem:s21+$0x0] =	vst v1;
	v1 =	vmul.f32 $8.000000000e+00, v4;
	v4 =	vld [tilespmem:s21+$0x70]  }
0x50: {  	[tilespmem:s21+$0x10] =	vst v0;
	v0 =	vmul.f32 $8.000000000e+00, v3;
	v3 =	vld [tilespmem:s21+$0x80]  }
0x51: {  	[tilespmem:s21+$0x20] =	vst v1;
	v1 =	vmul.f32 $8.000000000e+00, v2;
	v2 =	vld [tilespmem:s21+$0x90]  }
0x52: {  	s20 =	sadd.s32 $0x8, s20;
	[tilespmem:s21+$0x30] =	vst v0;
	v0 =	vmul.f32 $8.000000000e+00, v6;
	v6 =	vld [tilespmem:s21+$0xA0]  }
0x53: {  	p0 =	slt.u32 s20, $0x278;
	[tilespmem:s21+$0x40] =	vst v1;
	v1 =	vmul.f32 $8.000000000e+00, v5;
	v7 =	vld [tilespmem:s21+$0xB0]  }
.Ltmp0:
0x54: {  	[tilespmem:s21+$0x50] =	vst v0;
	v4 =	vmul.f32 $8.000000000e+00, v4;
	v0 =	vld [tilespmem:s21+$0xC0];
	(pc) =	sbr.rel @p0 .LBB2_3-.Ltmp0, $4  }
0x55: {  	[tilespmem:s21+$0x60] =	vst v1;
	v5 =	vmul.f32 $8.000000000e+00, v3;
	v1 =	vld [tilespmem:s21+$0xD0]  }
0x56: {  	[tilespmem:s21+$0x70] =	vst v4;
	v8 =	vmul.f32 $8.000000000e+00, v2;
	v3 =	vld [tilespmem:s21+$0xE0]  }
0x57: {  	[tilespmem:s21+$0x80] =	vst v5;
	v5 =	vmul.f32 $8.000000000e+00, v6;
	v2 =	vld [tilespmem:s21+$0xF0]  }
0x58: {  	s21 =	sadd.s32 $0x200, s21;
	v4 =	vld [tilespmem:s19+$0xFFFFFFF0];
	[tilespmem:s19+$0x90] =	vst v8;
	v6 =	vmul.f32 $8.000000000e+00, v7  }
0x59: {  	[tilespmem:s19+$0xA0] =	vst v5;
	v0 =	vmul.f32 $8.000000000e+00, v0  }
0x5a: {  	[tilespmem:s19+$0xB0] =	vst v6;
	v1 =	vmul.f32 $8.000000000e+00, v1  }
0x5b: {  	s20 =	smul.u32 $0x500, s17;
	[tilespmem:s19+$0xC0] =	vst v0;
	v0 =	vmul.f32 $8.000000000e+00, v3  }
0x5c: {  	[tilespmem:s19+$0xD0] =	vst v1;
	v1 =	vmul.f32 $8.000000000e+00, v2  }
0x5d: {  	s20 =	sadd.s32 s3, s20;
	v2 =	vmul.f32 $8.000000000e+00, v4;
	[tilespmem:s19+$0xE0] =	vst v0  }
0x5e: {  	p0 =	seq.s32 s17, $0x13;
	s20 =	sshll.u32 s20, $0x3;
	[tilespmem:s19+$0xF0] =	vst v1  }
0x5f: {  	s31 =	sadd.s32 s2, s20;
	[tilespmem:s19+$0xFFFFFFF0] =	vst v2;
	s19 =	simm.s32 @!p0 $0x3  }
0x60: {  	[hbm4b:s31+s4] =	stream.linear.scatter [tilespmem:s10], [sflag:$0x3], $0xA000, $0x38;
	[tilespmem:$0x1A400] =	vst v63  }
0x61: {  	s20 =	smul.u32 @!p0 $0x1400, s17;
	_ =	swait.ge @!p0 [sflag:s19], $0xA000  }
0x62: {  	[sflag:s19] =	ssyncset.done @!p0 $0x0  }
0x63: {  	[sflag:s19] =	ssyncadd.s32 @!p0 $0xFFFF6000;
	s19 =	sshra.s32 @!p0 s20, $0x2  }
0x64: {  	s21 =	simm.s32 @!p0 $0x6400;
	s20 =	simm.s32 @!p0 $0x280;
	s19 =	sadd.s32 @!p0 $0x500, s19  }
0x65: {  	[tilespmem:s21], [sflag:$0x1] =	stream.indirect.gather @!p0 [hbm4b:s5+s20], $0x40, s19, s20, $0xb8;
	[tilespmem:$0x1A400] =	vst v63  }
0x66: {  	_ =	swait.ge [sflag:s13], $0xA000  }
0x67: {  	[sflag:s13] =	ssyncset.done $0x0  }
0x68: {  	s19 =	simm.s32 $0x10500;
	[sflag:s13] =	ssyncadd.s32 $0xFFFF6000  }
0x69: {  	v0 =	vld [tilespmem:s19+$0xFFFFFF00]  }
0x6a: {  	v1 =	vld [tilespmem:s19+$0xFFFFFF10]  }
0x6b: {  	v2 =	vld [tilespmem:s19+$0xFFFFFF20]  }
0x6c: {  	v3 =	vld [tilespmem:s19+$0xFFFFFF30]  }
0x6d: {  	v4 =	vld [tilespmem:s19+$0xFFFFFF40]  }
0x6e: {  	v5 =	vld [tilespmem:s19+$0xFFFFFF50];
	v0 =	vmul.f32 $8.000000000e+00, v0  }
0x6f: {  	v6 =	vld [tilespmem:s19+$0xFFFFFF60];
	v1 =	vmul.f32 $8.000000000e+00, v1  }
0x70: {  	[tilespmem:s19+$0xFFFFFF00] =	vst v0;
	v0 =	vmul.f32 $8.000000000e+00, v2;
	v2 =	vld [tilespmem:s19+$0xFFFFFF70]  }
0x71: {  	[tilespmem:s19+$0xFFFFFF10] =	vst v1;
	v1 =	vmul.f32 $8.000000000e+00, v3;
	v3 =	vld [tilespmem:s19+$0xFFFFFF80]  }
0x72: {  	[tilespmem:s19+$0xFFFFFF20] =	vst v0;
	v0 =	vmul.f32 $8.000000000e+00, v4;
	v4 =	vld [tilespmem:s19+$0xFFFFFF90]  }
0x73: {  	[tilespmem:s19+$0xFFFFFF30] =	vst v1;
	v1 =	vmul.f32 $8.000000000e+00, v5;
	v5 =	vld [tilespmem:s19+$0xFFFFFFA0]  }
0x74: {  	[tilespmem:s19+$0xFFFFFF40] =	vst v0;
	v0 =	vmul.f32 $8.000000000e+00, v6;
	v6 =	vld [tilespmem:s19+$0xFFFFFFB0]  }
0x75: {  	[tilespmem:s19+$0xFFFFFF50] =	vst v1;
	v1 =	vmul.f32 $8.000000000e+00, v2;
	v2 =	vld [tilespmem:s19+$0xFFFFFFC0]  }
0x76: {  	[tilespmem:s19+$0xFFFFFF60] =	vst v0;
	v0 =	vmul.f32 $8.000000000e+00, v3;
	v3 =	vld [tilespmem:s19+$0xFFFFFFD0]  }
0x77: {  	[tilespmem:s19+$0xFFFFFF70] =	vst v1;
	v1 =	vmul.f32 $8.000000000e+00, v4;
	v4 =	vld [tilespmem:s19+$0xFFFFFFE0]  }
0x78: {  	[tilespmem:s19+$0xFFFFFF80] =	vst v0;
	v0 =	vmul.f32 $8.000000000e+00, v5;
	v5 =	vld [tilespmem:s19+$0x0]  }
0x79: {  	[tilespmem:s19+$0xFFFFFF90] =	vst v1;
	v1 =	vmul.f32 $8.000000000e+00, v6;
	v6 =	vld [tilespmem:s19+$0x10]  }
0x7a: {  	[tilespmem:s19+$0xFFFFFFA0] =	vst v0;
	v0 =	vmul.f32 $8.000000000e+00, v2;
	v2 =	vld [tilespmem:s19+$0x20]  }
0x7b: {  	[tilespmem:s19+$0xFFFFFFB0] =	vst v1;
	v1 =	vmul.f32 $8.000000000e+00, v3;
	v3 =	vld [tilespmem:s19+$0x30]  }
0x7c: {  	[tilespmem:s19+$0xFFFFFFC0] =	vst v0;
	v0 =	vmul.f32 $8.000000000e+00, v4;
	v4 =	vld [tilespmem:s19+$0x40]  }
0x7d: {  	[tilespmem:s19+$0xFFFFFFD0] =	vst v1;
	v1 =	vmul.f32 $8.000000000e+00, v5;
	v5 =	vld [tilespmem:s19+$0x50]  }
0x7e: {  	[tilespmem:s19+$0xFFFFFFE0] =	vst v0;
	v0 =	vmul.f32 $8.000000000e+00, v6;
	v6 =	vld [tilespmem:s19+$0x60]  }
0x7f: {  	[tilespmem:s19+$0x0] =	vst v1;
	v1 =	vmul.f32 $8.000000000e+00, v2;
	v2 =	vld [tilespmem:s19+$0x70]  }
0x80: {  	[tilespmem:s19+$0x10] =	vst v0;
	v0 =	vmul.f32 $8.000000000e+00, v3;
	v3 =	vld [tilespmem:s19+$0x80]  }
0x81: {  	[tilespmem:s19+$0x20] =	vst v1;
	v1 =	vmul.f32 $8.000000000e+00, v4;
	v4 =	vld [tilespmem:s19+$0x90]  }
0x82: {  	[tilespmem:s19+$0x30] =	vst v0;
	v0 =	vmul.f32 $8.000000000e+00, v5;
	v5 =	vld [tilespmem:s19+$0xA0]  }
0x83: {  	[tilespmem:s19+$0x40] =	vst v1;
	v1 =	vmul.f32 $8.000000000e+00, v6;
	v6 =	vld [tilespmem:s19+$0xB0]  }
0x84: {  	[tilespmem:s19+$0x50] =	vst v0;
	v2 =	vmul.f32 $8.000000000e+00, v2;
	v0 =	vld [tilespmem:s19+$0xC0]  }
0x85: {  	[tilespmem:s19+$0x60] =	vst v1;
	v3 =	vmul.f32 $8.000000000e+00, v3;
	v1 =	vld [tilespmem:s19+$0xD0]  }
0x86: {  	[tilespmem:s19+$0x70] =	vst v2;
	v7 =	vmul.f32 $8.000000000e+00, v4;
	v2 =	vld [tilespmem:s19+$0xE0]  }
0x87: {  	[tilespmem:s19+$0x80] =	vst v3;
	v3 =	vld [tilespmem:s19+$0xF0];
	v5 =	vmul.f32 $8.000000000e+00, v5  }
0x88: {  	s20 =	simm.s32 $0x0;
	s21 =	simm.s32 $0x10700;
	v4 =	vld [tilespmem:s19+$0xFFFFFFF0];
	[tilespmem:s19+$0x90] =	vst v7;
	v6 =	vmul.f32 $8.000000000e+00, v6  }
.LBB2_5:
0x89: {  	v7 =	vld [tilespmem:s21+$0xFFFFFF00];
	[tilespmem:s19+$0xA0] =	vst v5;
	v0 =	vmul.f32 $8.000000000e+00, v0  }
0x8a: {  	v5 =	vld [tilespmem:s21+$0xFFFFFF10];
	[tilespmem:s19+$0xB0] =	vst v6;
	v1 =	vmul.f32 $8.000000000e+00, v1  }
0x8b: {  	v6 =	vld [tilespmem:s21+$0xFFFFFF20];
	[tilespmem:s19+$0xC0] =	vst v0;
	v0 =	vmul.f32 $8.000000000e+00, v2  }
0x8c: {  	v2 =	vld [tilespmem:s21+$0xFFFFFF30];
	[tilespmem:s19+$0xD0] =	vst v1;
	v1 =	vmul.f32 $8.000000000e+00, v3  }
0x8d: {  	v3 =	vld [tilespmem:s21+$0xFFFFFF40];
	v4 =	vmul.f32 $8.000000000e+00, v4;
	[tilespmem:s19+$0xE0] =	vst v0  }
0x8e: {  	v0 =	vmul.f32 $8.000000000e+00, v7;
	v7 =	vld [tilespmem:s21+$0xFFFFFF50];
	[tilespmem:s19+$0xF0] =	vst v1  }
0x8f: {  	v1 =	vmul.f32 $8.000000000e+00, v5;
	v5 =	vld [tilespmem:s21+$0xFFFFFF60];
	[tilespmem:s19+$0xFFFFFFF0] =	vst v4;
	s19 =	smov.u32 s21  }
0x90: {  	[tilespmem:s21+$0xFFFFFF00] =	vst v0;
	v0 =	vmul.f32 $8.000000000e+00, v6;
	v4 =	vld [tilespmem:s21+$0xFFFFFF70]  }
0x91: {  	[tilespmem:s21+$0xFFFFFF10] =	vst v1;
	v1 =	vmul.f32 $8.000000000e+00, v2;
	v2 =	vld [tilespmem:s21+$0xFFFFFF80]  }
0x92: {  	[tilespmem:s21+$0xFFFFFF20] =	vst v0;
	v0 =	vmul.f32 $8.000000000e+00, v3;
	v3 =	vld [tilespmem:s21+$0xFFFFFF90]  }
0x93: {  	[tilespmem:s21+$0xFFFFFF30] =	vst v1;
	v1 =	vmul.f32 $8.000000000e+00, v7;
	v6 =	vld [tilespmem:s21+$0xFFFFFFA0]  }
0x94: {  	[tilespmem:s21+$0xFFFFFF40] =	vst v0;
	v0 =	vmul.f32 $8.000000000e+00, v5;
	v5 =	vld [tilespmem:s21+$0xFFFFFFB0]  }
0x95: {  	[tilespmem:s21+$0xFFFFFF50] =	vst v1;
	v1 =	vmul.f32 $8.000000000e+00, v4;
	v4 =	vld [tilespmem:s21+$0xFFFFFFC0]  }
0x96: {  	[tilespmem:s21+$0xFFFFFF60] =	vst v0;
	v0 =	vmul.f32 $8.000000000e+00, v2;
	v2 =	vld [tilespmem:s21+$0xFFFFFFD0]  }
0x97: {  	[tilespmem:s21+$0xFFFFFF70] =	vst v1;
	v1 =	vmul.f32 $8.000000000e+00, v3;
	v3 =	vld [tilespmem:s21+$0xFFFFFFE0]  }
0x98: {  	[tilespmem:s21+$0xFFFFFF80] =	vst v0;
	v0 =	vmul.f32 $8.000000000e+00, v6;
	v6 =	vld [tilespmem:s21+$0x0]  }
0x99: {  	[tilespmem:s21+$0xFFFFFF90] =	vst v1;
	v1 =	vmul.f32 $8.000000000e+00, v5;
	v5 =	vld [tilespmem:s21+$0x10]  }
0x9a: {  	[tilespmem:s21+$0xFFFFFFA0] =	vst v0;
	v0 =	vmul.f32 $8.000000000e+00, v4;
	v4 =	vld [tilespmem:s21+$0x20]  }
0x9b: {  	[tilespmem:s21+$0xFFFFFFB0] =	vst v1;
	v1 =	vmul.f32 $8.000000000e+00, v2;
	v2 =	vld [tilespmem:s21+$0x30]  }
0x9c: {  	[tilespmem:s21+$0xFFFFFFC0] =	vst v0;
	v0 =	vmul.f32 $8.000000000e+00, v3;
	v3 =	vld [tilespmem:s21+$0x40]  }
0x9d: {  	[tilespmem:s21+$0xFFFFFFD0] =	vst v1;
	v1 =	vmul.f32 $8.000000000e+00, v6;
	v6 =	vld [tilespmem:s21+$0x50]  }
0x9e: {  	[tilespmem:s21+$0xFFFFFFE0] =	vst v0;
	v0 =	vmul.f32 $8.000000000e+00, v5;
	v5 =	vld [tilespmem:s21+$0x60]  }
0x9f: {  	[tilespmem:s21+$0x0] =	vst v1;
	v1 =	vmul.f32 $8.000000000e+00, v4;
	v4 =	vld [tilespmem:s21+$0x70]  }
0xa0: {  	[tilespmem:s21+$0x10] =	vst v0;
	v0 =	vmul.f32 $8.000000000e+00, v2;
	v2 =	vld [tilespmem:s21+$0x80]  }
0xa1: {  	[tilespmem:s21+$0x20] =	vst v1;
	v1 =	vmul.f32 $8.000000000e+00, v3;
	v3 =	vld [tilespmem:s21+$0x90]  }
0xa2: {  	s20 =	sadd.s32 $0x8, s20;
	[tilespmem:s21+$0x30] =	vst v0;
	v0 =	vmul.f32 $8.000000000e+00, v6;
	v6 =	vld [tilespmem:s21+$0xA0]  }
0xa3: {  	p0 =	slt.u32 s20, $0x278;
	[tilespmem:s21+$0x40] =	vst v1;
	v1 =	vmul.f32 $8.000000000e+00, v5;
	v7 =	vld [tilespmem:s21+$0xB0]  }
.Ltmp1:
0xa4: {  	[tilespmem:s21+$0x50] =	vst v0;
	v4 =	vmul.f32 $8.000000000e+00, v4;
	v0 =	vld [tilespmem:s21+$0xC0];
	(pc) =	sbr.rel @p0 .LBB2_5-.Ltmp1, $4  }
0xa5: {  	[tilespmem:s21+$0x60] =	vst v1;
	v5 =	vmul.f32 $8.000000000e+00, v2;
	v1 =	vld [tilespmem:s21+$0xD0]  }
0xa6: {  	[tilespmem:s21+$0x70] =	vst v4;
	v8 =	vmul.f32 $8.000000000e+00, v3;
	v2 =	vld [tilespmem:s21+$0xE0]  }
0xa7: {  	[tilespmem:s21+$0x80] =	vst v5;
	v5 =	vmul.f32 $8.000000000e+00, v6;
	v3 =	vld [tilespmem:s21+$0xF0]  }
0xa8: {  	s21 =	sadd.s32 $0x200, s21;
	v4 =	vld [tilespmem:s19+$0xFFFFFFF0];
	[tilespmem:s19+$0x90] =	vst v8;
	v6 =	vmul.f32 $8.000000000e+00, v7  }
0xa9: {  	[tilespmem:s19+$0xA0] =	vst v5;
	v0 =	vmul.f32 $8.000000000e+00, v0  }
0xaa: {  	s18 =	smul.u32 $0x280, s18;
	s17 =	sadd.s32 $0x1, s17;
	[tilespmem:s19+$0xB0] =	vst v6;
	v1 =	vmul.f32 $8.000000000e+00, v1  }
0xab: {  	p0 =	sne.s32 s17, $0x14;
	[tilespmem:s19+$0xC0] =	vst v0;
	v61 =	vmul.f32 $8.000000000e+00, v2  }
.Ltmp2:
0xac: {  	s18 =	sadd.s32 s3, s18;
	[tilespmem:s19+$0xD0] =	vst v1;
	v62 =	vmul.f32 $8.000000000e+00, v3;
	(pc) =	sbr.rel @p0 .LBB2_2-.Ltmp2, $4  }
0xad: {  	s18 =	sshll.u32 s18, $0x3;
	v63 =	vmul.f32 $8.000000000e+00, v4;
	[tilespmem:s19+$0xE0] =	vst v61  }
0xae: {  	s18 =	sand.u32 $0x1FFFFC00, s18;
	[tilespmem:s19+$0xF0] =	vst v62  }
0xaf: {  	s18 =	sadd.s32 s2, s18;
	[tilespmem:s19+$0xFFFFFFF0] =	vst v63  }
0xb0: {  	[hbm4b:s18+s4] =	stream.linear.scatter [tilespmem:s11], [sflag:$0x4], $0xA000, $0x38;
	[tilespmem:$0x1A400] =	vst v63  }
0xb1: {  	s16 =	sadd.s32 $0x1, s16  }
0xb2: {  	_ =	swait.ge [sflag:s14], $0xA000;
	p0 =	sne.s32 s16, s7  }
.Ltmp3:
0xb3: {  	[sflag:s14] =	ssyncset.done $0x0;
	(pc) =	sbr.rel @p0 .LBB2_1-.Ltmp3, $4  }
0xb4: {  	[sflag:s14] =	ssyncadd.s32 $0xFFFF6000  }
0xb5: {  	_ =	swait.ge [sflag:s15], $0xA000  }
0xb6: {  	[sflag:s15] =	ssyncset.done $0x0  }
0xb7: {  	[sflag:s15] =	ssyncadd.s32 $0xFFFF6000  }
0xb8: {  	_ =	sfence.sel $0x180000  }
0xb9: {  	[bflag:$0x0] =	sbarrier.arrive $0xFFFF  }
0xba: {  	p0 =	sne.s32 s0, $0x0;
	_ =	strace $0x90000047  }
0xbb: {  	s0 =	sadd.s32 @!p0 $0x100000, s1;
	[bflag:$0x2] =	sbarrier.arrive $0xFFFF  }
0xbc: {  	[sflag:s0] =	ssyncadd.tile.s32 @!p0 $0x1;
	_ =	shalt  }
.Lfunc_end2:
_tile_overlayer_lowered:
.L_overlay_start_2:
0xbd: {  	(tag) =	ssettag $0x2  }
0xbe: {  	s0 =	rddreg [dreg:$0x0];
	s2 =	stileid.u32  }
0xbf: {  	s1 =	rddreg [dreg:$0x1];
	p0 =	sne.s32 s2, $0x0  }
0xc0: {  	s3 =	rddreg [dreg:$0x2];
	[bflag:$0x3] =	sbarrier.arrive $0xFFFF;
	s2 =	simm.s32 @!p0 $0x1C05  }
0xc1: {  	[timem:s3], [sflag:s2] =	dma.local @!p0 [hbm:s0], s1  }
0xc2: {  	s0 =	simm.s32 @!p0 $0x5  }
0xc3: {  	_ =	swait.ge @!p0 [sflag:s0], s1  }
0xc4: {  	s1 =	ssub.s32 @!p0 $0x0, s1;
	[sflag:s0] =	ssyncset.done @!p0 $0x0  }
0xc5: {  	[sflag:s0] =	ssyncadd.s32 @!p0 s1  }
0xc6: {  	[bflag:$0x3] =	sbarrier.arrive $0xFFFF  }
0xc7: {  	_ =	shalt  }

// kernel: sparse-core-data-format-call.cloned.1.call-start
scs
called_computation_lowered:
.L_overlay_start_0:
0x0: {  	s2 =	sld [smem:$0x3FD9]  }
0x1: {  	s3 =	sld [smem:$0x3FFE];
	_ =	sdelay $0x1  }
0x2: {  	s1 =	srdreg.scid  }
0x3: {  	s0 =	sand.u32 $0x1, s1  }
0x4: {  	s18 =	sshll.u32 s0, $0xA;
	s2 =	sadd.s32 s3, s2  }
0x5: {  	s2 =	sadd.s32 s2, s18  }
0x6: {  	[smem:$0x3FC6] =	sst s2  }
0x7: {  	_ = 	snop  }
0x8: {  	s2 =	sld [smem:$0x3FD0];
	(tm) =	ssettm $0x1  }
0x9: {  	s19 =	sld [smem:$0x3FFB];
	_ =	sdelay $0x3  }
0xa: {  	_ =	strace s19  }
0xb: {  	s3 =	sld [smem:$0x3FFC];
	_ =	sdelay $0x3  }
0xc: {  	_ =	strace s3  }
0xd: {  	s3 =	sld [smem:$0x3FFD];
	_ =	sdelay $0x3  }
0xe: {  	_ =	strace s3  }
0xf: {  	_ =	strace $0x8FFFFFFF  }
0x10: {  	s20 =	sld [smem:$0x3FDB];
	_ =	sdelay $0x1  }
0x11: {  	s4 =	simm.s32 $_scs_section_size  }
0x12: {  	s5 =	simm.s32 $_size__tile_overlayer_lowered;
	s6 =	simm.s32 $_tile_overlayer_lowered  }
0x13: {  	s23 =	simm.s32 $0x1BFF;
	s22 =	sshll.u32 s6, $0x1;
	s3 =	sadd.s32 s4, s20  }
0x14: {  	s7 =	simm.s32 $0x0;
	s21 =	sshll.u32 s5, $0x1;
	s5 =	sadd.s32 s22, s3  }
0x15: {  	[timem:s7], [sflag:s23] =	dma.local [hbm:s5], s21  }
0x16: {  	_ =	swait.ge [sflag:s23], s21  }
0x17: {  	s4 =	ssub.s32 $0x0, s21;
	[sflag:s23] =	ssyncset.done $0x0  }
0x18: {  	[sflag:s23] =	ssyncadd.s32 s4;
	_ =	sdelay $0x1  }
0x19: {  	s24 =	simm.s32 $0x1B8B  }
0x1a: {  	_ =	swait.ge [sflag:s24], $0x1  }
0x1b: {  	[sflag:s24] =	ssyncset.done $0x0  }
0x1c: {  	s26 =	simm.s32 $0x1B8E;
	s25 =	sld [smem:$0x3FFE];
	[sflag:s24] =	ssyncadd.s32 $0xFFFFFFFF  }
0x1d: {  	s27 =	simm.s32 $execute0_lowered;
	[smem:$0x3FD2] =	sst s26  }
0x1e: {  	s5 =	sshll.u32 s27, $0x1;
	_ =	strace $0x80000049;
	[dreg:$0x1] =	wrdreg $0xFFFFFFFF  }
0x1f: {  	s28 =	simm.s32 $_size_execute0_lowered;
	s3 =	sadd.s32 s3, s5;
	[dreg:$0x0] =	wrdreg $0x0  }
0x20: {  	s5 =	sshll.u32 s28, $0x1;
	[dreg:$0x2] =	wrdreg s3  }
0x21: {  	[dreg:$0x3] =	wrdreg s5  }
0x22: {  	[dreg:$0x4] =	wrdreg $0xC0  }
0x23: {  	_ =	task [dreg:s7], $0x5FFFF  }
0x24: {  	[dreg:$0x1] =	wrdreg $0xFFFFFFFF  }
0x25: {  	[dreg:$0x0] =	wrdreg $0x60  }
0x26: {  	[dreg:$0x2] =	wrdreg s25  }
0x27: {  	[dreg:$0x3] =	wrdreg s2  }
0x28: {  	[dreg:$0x4] =	wrdreg $0x9  }
0x29: {  	_ =	task.clear_ibuf [dreg:s7], $0x5FFFF;
	_ =	strace $0x90000049  }
0x2a: {  	s29 =	simm.s32 $0x9;
	_ =	strace $0x8000004B  }
0x2b: {  	_ =	swait.ge [sflag:s29], $0x1  }
0x2c: {  	[sflag:s29] =	ssyncadd.s32 $0xFFFFFFFF  }
0x2d: {  	_ =	strace $0x9000004B  }
0x2e: {  	_ =	sfence  }
0x2f: {  	s30 =	sld [smem:$0x0];
	_ =	sdelay $0x2  }
0x30: {  	s31 =	sshll.u32 s1, $0xD;
	s1 =	sshrl.u32 s1, $0x2  }
0x31: {  	s3 =	sand.u32 $0x4000, s31;
	s1 =	sadd.s32 s1, s30  }
0x32: {  	s0 =	sor.u32 s3, s0;
	s1 =	sshll.u32 s1, $0x11  }
0x33: {  	s0 =	sor.u32 s1, s0  }
0x34: {  	s0 =	sadd.s32 $0x8F2B, s0  }
0x35: {  	[sflag:s0] =	ssyncadd.remote.s32 $0x1  }
0x36: {  	_ =	sfence.sel $0xFFFF  }
0x37: {  	[dreg:$0x0] =	wrdreg $0xFFFFFFFF;
	(pc) =	sbr.abs _section_cstart, $3  }
0x38: {  	[dreg:$0x1] =	wrdreg $0xFFFFFFFF  }
0x39: {  	_ =	task.clear_ibuf [dreg:s7], $0x2FFFF;
	_ =	strace $0x9FFFFFFF  }
0x3a: {  	(tm) =	ssettm $0x7FFFFFFF  }
0x3b: {  	_ =	shalt  }
tec
execute0_lowered:
.L_overlay_start_1:
0x0: {  	(tag) =	ssettag $0x1  }
0x1: {  	s0 =	srdreg.scid  }
0x2: {  	s1 =	sshll.u32 s0, $0x4  }
0x3: {  	s0 =	stileid.u32;
	s1 =	sand.u32 $0x10, s1  }
0x4: {  	s1 =	sor.u32 s0, s1  }
0x5: {  	s6 =	rddreg [dreg:$0x0];
	s4 =	simm.s32 $0x1;
	s2 =	sshll.u32 s1, $0x7  }
0x6: {  	s7 =	simm.s32 $0x2;
	s12 =	simm.s32 $0x0;
	s1 =	ssub.s32 $0x1000, s2  }
0x7: {  	s8 =	simm.s32 $0x8000;
	s13 =	simm.s32 $0x0;
	s3 =	sand.u32 $0xF80, s1  }
0x8: {  	s9 =	simm.s32 $0x0;
	s5 =	sshrl.u32 s1, $0xC;
	p0 =	sne.s32 s3, $0x0  }
.Ltmp0:
0x9: {  	s1 =	rddreg [dreg:$0x2];
	s4 =	simm.s32 @!p0 $0x0;
	(pc) =	sbr.rel .LBB1_1-.Ltmp0, $4  }
0xa: {  	s11 =	simm.s32 $0x0;
	s3 =	rddreg [dreg:$0x1];
	s5 =	sadd.s32 s4, s5  }
0xb: {  	_ =	strace $0x8000004A;
	s4 =	simm.s32 $0x1;
	s5 =	smul.u32 $0xC8, s5  }
0xc: {  	s6 =	sadd.s32 $0xA00, s6;
	s10 =	smov.u32 s2;
	[sflag:s4] =	ssyncpa.u1 $0x0  }
0xd: {  	p0 =	por $0x0, $0x0;
	[sflag:s7] =	ssyncpa.u1 $0x0;
	s7 =	sor.u32 $0x1, s5  }
.LBB1_4:
0xe: {  	s16 =	sshll.u32 s13, $0x3;
	s17 =	sand.u32 $0x78, s13  }
0xf: {  	s30 =	sand.u32 $0x7E00, s13;
	s12 =	sshll.u32 s12, $0xF;
	s16 =	sand.u32 $0xC00, s16  }
0x10: {  	[tilespmem:s15+$0x810 ss:$0x81] =	vst.msk $0xffff, v2;
	s31 =	sand.u32 $0x7, s13;
	s16 =	sor.u32 s17, s16;
	s17 =	sadd.s32 s3, s30  }
0x11: {  	[tilespmem:s15+$0x1020 ss:$0x81] =	vst.msk $0xffff, v0;
	s13 =	sshll.u32 s31, $0x12;
	s12 =	sadd.s32 s12, s17;
	s16 =	sshrl.u32 s16, $0x3  }
0x12: {  	[tilespmem:s15+$0x0 ss:$0x81] =	vst.msk $0xffff, v1;
	s13 =	sor.u32 $0x400, s13;
	s12 =	sadd.s32 s16, s12  }
0x13: {  	[hbm4b:s12+s13] =	stream.strided.scatter [tilespmem:s14], [sflag:$0x2], $0x2000, s8, s13, $0x20;
	[tilespmem:$0x8080] =	vst v63  }
.LBB1_5:
0x14: {  	s14 =	sadd.s32 $0x1, s9  }
0x15: {  	s12 =	sadd.s32 $0x1000, s10;
	s16 =	smov.u32 s10;
	p2 =	sgt.s32 s14, $0xC7  }
0x16: {  	s16 =	smov.u32 @p2 s12  }
0x17: {  	s14 =	simm.s32 @p2 $0x0;
	p2 =	sgt.s32 s16, $0xFFF  }
0x18: {  	s16 =	smov.u32 @p2 s2;
	p2 =	sne.s32 s11, s7  }
.Ltmp1:
0x19: {  	p1 =	slt.u32 s11, $0x2;
	(pc) =	sbr.rel @!p2 .LBB1_6-.Ltmp1, $4  }
0x1a: {  	s15 =	simm.s32 @!p1 $0x2  }
0x1b: {  	s13 =	smov.u32 s10;
	p0 =	por !p0, !p0;
	_ =	swait.ge @!p1 [sflag:s15], $0x2000  }
0x1c: {  	s12 =	smov.u32 s9;
	[sflag:s15] =	ssyncset.done @!p1 $0x0;
	s9 =	smov.u32 s14  }
0x1d: {  	s11 =	sadd.s32 $0x1, s11;
	[sflag:s15] =	ssyncadd.s32 @!p1 $0xFFFFE000;
	s10 =	smov.u32 s16  }
.LBB1_1:
0x1e: {  	p1 =	sge.u32 s11, s5  }
0x1f: {  	s14 =	sand.u32 @!p1 $0x1FFFFFF, s9  }
0x20: {  	s15 =	smulhi.u32 @!p1 $0x147AE15, s14;
	_ =	sdelay $0x1  }
0x21: {  	s15 =	smul.u32 @!p1 $0xC8, s15  }
0x22: {  	s16 =	sxor.u32 @!p1 $0xFFFFFFFF, s11;
	s17 =	smul.u32 @!p1 $0xC80, s10  }
0x23: {  	s31 =	sadd.s32 $0xFFFFFFFF, s11;
	s16 =	sshll.u32 @!p1 s16, $0xD;
	s14 =	ssub.s32 @!p1 s14, s15  }
0x24: {  	s15 =	sand.u32 @!p1 $0x2000, s16;
	s16 =	sadd.s32 @!p1 s6, s17;
	s14 =	sshll.u32 @!p1 s14, $0x4  }
0x25: {  	s17 =	simm.s32 @!p1 $0x6400;
	s14 =	sadd.s32 @!p1 s14, s16;
	s16 =	simm.s32 @!p1 $0x40  }
0x26: {  	[tilespmem:s15], [sflag:$0x1] =	stream.strided.gather @!p1 [hbm4b:s14+s16], $0x2000, s17, s16, $0x38;
	[tilespmem:$0x8080] =	vst v63  }
0x27: {  	p1 =	sge.u32 s31, s5  }
.Ltmp2:
0x28: {  	_ = 	snop;
	(pc) =	sbr.rel @p1 .LBB1_5-.Ltmp2, $1  }
0x29: {  	_ =	sdelay $0x3  }
0x2a: {  	s14 =	simm.s32 $0x1  }
0x2b: {  	_ =	swait.ge [sflag:s4], $0x2000;
	s14 =	simm.s32 @!p0 $0x0  }
0x2c: {  	[sflag:s4] =	ssyncset.done $0x0;
	s15 =	sshll.u32 s14, $0xD  }
0x2d: {  	[sflag:s4] =	ssyncadd.s32 $0xFFFFE000;
	s18 =	sor.u32 $0x20, s15  }
0x2e: {  	s14 =	smul.u32 $0x8100, s14;
	v3 =	vld [tilespmem:s18+$0x10]  }
0x2f: {  	s30 =	sand.u32 $0x1, s11;
	v2 =	vld [tilespmem:s18+$0xFFFFFFF0]  }
0x30: {  	s15 =	smul.u32 $0x8100, s30;
	s14 =	sshrl.u32 s14, $0x2;
	v0 =	vld [tilespmem:s18+$0x0]  }
0x31: {  	v1 =	vld [tilespmem:s18+$0xFFFFFFE0];
	s16 =	sor.u32 $0x4000, s14  }
0x32: {  	s31 =	sshrl.u32 s15, $0x2;
	s15 =	sadd.s32 $0x0, s16  }
0x33: {  	s17 =	simm.s32 $0x4;
	s18 =	sadd.s32 $0x40, s18;
	s14 =	sor.u32 $0x4000, s31;
	[tilespmem:s15+$0x1830 ss:$0x81] =	vst.msk $0xffff, v3  }
.LBB1_3:
0x34: {  	v3 =	vld [tilespmem:s18+$0x10];
	p1 =	sne.s32 s17, $0x1FC;
	[tilespmem:s15+$0x810 ss:$0x81] =	vst.msk $0xffff, v2;
	s19 =	smov.u32 s17;
	s17 =	sadd.s32 $0x4, s17  }
.Ltmp3:
0x35: {  	v2 =	vld [tilespmem:s18+$0xFFFFFFF0];
	[tilespmem:s15+$0x1020 ss:$0x81] =	vst.msk $0xffff, v0;
	(pc) =	sbr.rel @p1 .LBB1_3-.Ltmp3, $4  }
0x36: {  	v0 =	vld [tilespmem:s18+$0x0];
	[tilespmem:s15+$0x0 ss:$0x81] =	vst.msk $0xffff, v1  }
0x37: {  	s15 =	sshra.s32 s19, $0x2;
	v1 =	vld [tilespmem:s18+$0xFFFFFFE0]  }
0x38: {  	s15 =	sadd.s32 s15, s16  }
0x39: {  	s18 =	sadd.s32 $0x40, s18;
	[tilespmem:s15+$0x1830 ss:$0x81] =	vst.msk $0xffff, v3  }
.Ltmp4:
0x3a: {  	_ = 	snop;
	(pc) =	sbr.rel .LBB1_4-.Ltmp4, $1  }
0x3b: {  	_ =	sdelay $0x3  }
.LBB1_6:
0x3c: {  	_ =	sfence.sel $0x180000  }
0x3d: {  	s2 =	simm.s32 $0x1;
	[bflag:$0x0] =	sbarrier.arrive $0xFFFF  }
0x3e: {  	s31 =	simm.s32 $0x2;
	[sflag:s2] =	ssyncpa.u1 $0x1  }
0x3f: {  	[sflag:s31] =	ssyncpa.u1 $0x1  }
0x40: {  	p0 =	sne.s32 s0, $0x0;
	_ =	strace $0x9000004A  }
0x41: {  	s0 =	sadd.s32 @!p0 $0x100000, s1;
	[bflag:$0x2] =	sbarrier.arrive $0xFFFF  }
0x42: {  	[sflag:s0] =	ssyncadd.tile.s32 @!p0 $0x1;
	_ =	shalt  }
.Lfunc_end1:
_tile_overlayer_lowered:
.L_overlay_start_2:
0x43: {  	(tag) =	ssettag $0x2  }
0x44: {  	s0 =	rddreg [dreg:$0x0];
	s2 =	stileid.u32  }
0x45: {  	s1 =	rddreg [dreg:$0x1];
	p0 =	sne.s32 s2, $0x0  }
0x46: {  	s3 =	rddreg [dreg:$0x2];
	[bflag:$0x3] =	sbarrier.arrive $0xFFFF;
	s2 =	simm.s32 @!p0 $0x1C01  }
0x47: {  	[timem:s3], [sflag:s2] =	dma.local @!p0 [hbm:s0], s1  }
0x48: {  	s0 =	simm.s32 @!p0 $0x1  }
0x49: {  	_ =	swait.ge @!p0 [sflag:s0], s1  }
0x4a: {  	s1 =	ssub.s32 @!p0 $0x0, s1;
	[sflag:s0] =	ssyncset.done @!p0 $0x0  }
0x4b: {  	[sflag:s0] =	ssyncadd.s32 @!p0 s1  }
0x4c: {  	[bflag:$0x3] =	sbarrier.arrive $0xFFFF  }
0x4d: {  	_ =	shalt  }

</sc_bundles>
